<compile_context>
chip_gen: v7x
topology: tpu7x:2x2x1
jax: 0.10.2.dev20260603
libtpu: 0.0.44.dev20260713+nightly
codegen_flags: <defaults>
</compile_context>

<pallas_src>
import jax
import jax.numpy as jnp
from jax import lax
from jax.experimental import pallas as pl
from jax.experimental.pallas import tpu as pltpu
from jax.experimental.pallas import tpu_sc as plsc

_NUM_FIELDS = 26
_VOCAB = 100000
_DIM = 64
_BATCH = 16384

_NC = 2
_NS = 16
_NW = _NC * _NS
_L = 16

_B_TOTAL = _BATCH * _NUM_FIELDS
_B_PER_W = _B_TOTAL // _NW
_CHUNK = 256
_N_CHUNKS = _B_PER_W // _CHUNK
_NBUF = 4


def _gather_body(idx_hbm, tab_hbm, out_hbm, idx_v, rows_v, *sems):
    gsem = sems[:_NBUF]
    wsem = sems[_NBUF:]
    wid = lax.axis_index("s") * _NC + lax.axis_index("c")
    base = wid * _B_PER_W

    pltpu.sync_copy(idx_hbm.at[pl.ds(base, _B_PER_W)], idx_v)

    def flatten_body(v, _):
        j0 = v * _L
        pos = j0 + lax.iota(jnp.int32, _L)
        field = lax.rem(pos, _NUM_FIELDS)
        idx = idx_v[pl.ds(j0, _L)]
        r = (
            field * (2 * _HPAD)
            + ((idx >> 14) << 14)
            + ((idx & 8191) << 1)
            + ((idx >> 13) & 1)
        )
        idx_v[pl.ds(j0, _L)] = r
        return ()

    lax.fori_loop(0, _B_PER_W // _L, flatten_body, ())

    def fire_gather(c, b):
        pltpu.async_copy(
            tab_hbm.at[idx_v.at[pl.ds(c * _CHUNK, _CHUNK)]],
            rows_v.at[b],
            gsem[b],
        )

    def fire_write(c, b):
        pltpu.async_copy(
            rows_v.at[b],
            out_hbm.at[pl.ds(base + c * _CHUNK, _CHUNK)],
            wsem[b],
        )

    def wait_gather(c, b):
        pltpu.make_async_copy(
            tab_hbm.at[idx_v.at[pl.ds(c * _CHUNK, _CHUNK)]],
            rows_v.at[b],
            gsem[b],
        ).wait()

    def wait_write(c, b):
        pltpu.make_async_copy(
            rows_v.at[b],
            out_hbm.at[pl.ds(base + c * _CHUNK, _CHUNK)],
            wsem[b],
        ).wait()

    for b in range(_NBUF):
        fire_gather(b, b)

    @pl.loop(0, _N_CHUNKS - _NBUF, step=_NBUF)
    def _steady(c0):
        for b in range(_NBUF):
            c = c0 + b
            wait_gather(c, b)
            fire_write(c, b)
            wait_write(c, b)
            fire_gather(c + _NBUF, b)

    for b in range(_NBUF):
        c = _N_CHUNKS - _NBUF + b
        wait_gather(c, b)
        fire_write(c, b)
    for b in range(_NBUF):
        c = _N_CHUNKS - _NBUF + b
        wait_write(c, b)


_sc_gather = pl.kernel(
    _gather_body,
    out_type=jax.ShapeDtypeStruct((_B_TOTAL, _DIM), jnp.float32),
    mesh=plsc.VectorSubcoreMesh(core_axis_name="c", subcore_axis_name="s"),
    scratch_types=(
        [
            pltpu.VMEM((_B_PER_W,), jnp.int32),
            pltpu.VMEM((_NBUF, _CHUNK, _DIM), jnp.float32),
        ]
        + [pltpu.SemaphoreType.DMA] * (2 * _NBUF)
    ),
    compiler_params=pltpu.CompilerParams(use_tc_tiling_on_sc=False),
)


_VC = 16384
_N_VC = (_VOCAB + _VC - 1) // _VC
_VPAD = _N_VC * _VC
_HPAD = _VPAD // 2


def _tp_body(a_ref, o_ref):
    a = a_ref[0]
    row = jax.lax.broadcasted_iota(jnp.int32, (_DIM, 2 * _DIM), 0)
    col = jax.lax.broadcasted_iota(jnp.int32, (_DIM, 2 * _DIM), 1)
    e_lo = (col == row).astype(jnp.float32)
    e_hi = (col == row + _DIM).astype(jnp.float32)
    dn = (((0,), (0,)), ((), ()))
    o_ref[0] = jax.lax.dot_general(
        a[:, : _VC // 2], e_lo, dn, preferred_element_type=jnp.float32
    ) + jax.lax.dot_general(
        a[:, _VC // 2 :], e_hi, dn, preferred_element_type=jnp.float32
    )


_tc_transpose = pl.pallas_call(
    _tp_body,
    grid=(_NUM_FIELDS, _N_VC),
    in_specs=[pl.BlockSpec((1, _DIM, _VC), lambda f, c: (f, 0, c))],
    out_specs=pl.BlockSpec((1, _VC // 2, 2 * _DIM), lambda f, c: (f, c, 0)),
    out_shape=jax.ShapeDtypeStruct((_NUM_FIELDS, _HPAD, 2 * _DIM), jnp.float32),
)


def kernel(indexes, tables):
    idx_flat = indexes.reshape(_B_TOTAL).astype(jnp.int32)
    tab_t = jnp.transpose(tables, (0, 2, 1))
    tab_rm = _tc_transpose(tab_t)
    tab_flat = tab_rm.reshape(_NUM_FIELDS * 2 * _HPAD, _DIM)
    out = _sc_gather(idx_flat, tab_flat)
    return out.reshape(_BATCH, _NUM_FIELDS * _DIM)

# --- scband reference (transcript-rebuilt; emitter-appended) ---
"""Pipeline reference for scband-embedding-1297080124031 (READ-ONLY COPY).

The authoritative reference and input builder live on the scoring server;
editing this copy changes nothing except your own understanding.
"""

import jax, jax.numpy as jnp
import numpy as np

NUM_FIELDS = 26
VOCAB = 100000
DIM = 64
BATCH = 16384

def setup_inputs(seed: int = 0) -> dict:
    key = jax.random.key(seed)
    k_idx, k_tab = jax.random.split(key)
    indexes = jax.random.randint(k_idx, (BATCH, NUM_FIELDS), 0, VOCAB, dtype=jnp.int64 if jax.config.jax_enable_x64 else jnp.int32)
    # One embedding table per field; all same vocab/dim, stacked for convenience.
    tables = jax.random.normal(k_tab, (NUM_FIELDS, VOCAB, DIM), dtype=jnp.float32)
    return {"indexes": indexes, "tables": tables}

def reference(indexes, tables):
    # type_ == 'cat': concatenate per-field embedding lookups along dim=1
    outs = [jnp.take(tables[i], indexes[:, i], axis=0) for i in range(NUM_FIELDS)]
    x = jnp.concatenate(outs, axis=1)
    return x

if __name__ == "__main__":
    import jax
    _d = setup_inputs()
    print(jax.jit(kernel)(*tuple(_d.values())))

</pallas_src>

<mosaic_0001>
#map = affine_map<(d0, d1) -> (0)>
#map1 = affine_map<(d0, d1) -> (0, 0)>
module attributes {stable_mosaic.version = 14 : i64} {
  func.func @_gather_body(%arg0: i32, %arg1: i32, %arg2: memref<425984xi32, #tpu.memory_space<hbm>>, %arg3: memref<2981888x64xf32, #tpu.memory_space<hbm>>, %arg4: memref<425984x64xf32, #tpu.memory_space<hbm>>, %arg5: memref<13312xi32, #tpu.memory_space<vmem>>, %arg6: memref<4x256x64xf32, #tpu.memory_space<vmem>>, %arg7: memref<!tpu.dma_semaphore, #tpu.memory_space<semaphore_mem>>, %arg8: memref<!tpu.dma_semaphore, #tpu.memory_space<semaphore_mem>>, %arg9: memref<!tpu.dma_semaphore, #tpu.memory_space<semaphore_mem>>, %arg10: memref<!tpu.dma_semaphore, #tpu.memory_space<semaphore_mem>>, %arg11: memref<!tpu.dma_semaphore, #tpu.memory_space<semaphore_mem>>, %arg12: memref<!tpu.dma_semaphore, #tpu.memory_space<semaphore_mem>>, %arg13: memref<!tpu.dma_semaphore, #tpu.memory_space<semaphore_mem>>, %arg14: memref<!tpu.dma_semaphore, #tpu.memory_space<semaphore_mem>>) attributes {dimension_semantics = [#tpu.dimension_semantics<core_parallel>, #tpu.dimension_semantics<subcore_parallel>], iteration_bounds = array<i64: 2, 16>, scalar_prefetch = 0 : i64, scratch_operands = 10 : i64, tpu.core_type = #tpu.core_type<sc_vector_subcore>, window_params = [{transform_indices = #map}, {transform_indices = #map1}, {transform_indices = #map1}]} {
    %mul3A = arith.constant 2 : i32
    %mul3A_0 = arith.muli %arg1, %mul3A : i32
    %add3A = arith.addi %mul3A_0, %arg0 : i32
    %mul3A_1 = arith.constant 13312 : i32
    %mul3A_2 = arith.muli %add3A, %mul3A_1 : i32
    "tpu.region"() ({
      %run_scoped3A = tpu.sem_alloc : memref<!tpu.dma_semaphore, #tpu.memory_space<semaphore_mem>>
      %dma_start3A_210 = tpu.memref_slice %arg2[%mul3A_2] : memref<425984xi32, #tpu.memory_space<hbm>> -> memref<13312xi32, #tpu.memory_space<hbm>>
      %dma_start3A_211 = tpu.memref_slice %arg2[%mul3A_2] : memref<425984xi32, #tpu.memory_space<hbm>> -> memref<13312xi32, #tpu.memory_space<hbm>>
      tpu.enqueue_dma source(%dma_start3A_211 : memref<13312xi32, #tpu.memory_space<hbm>>) target(%arg5 : memref<13312xi32, #tpu.memory_space<vmem>>) target_semaphore(%run_scoped3A : memref<!tpu.dma_semaphore, #tpu.memory_space<semaphore_mem>>)
      %dma_wait3A_212 = tpu.memref_slice %arg2[%mul3A_2] : memref<425984xi32, #tpu.memory_space<hbm>> -> memref<13312xi32, #tpu.memory_space<hbm>>
      %dma_wait3A_213 = tpu.memref_slice %arg2[%mul3A_2] : memref<425984xi32, #tpu.memory_space<hbm>> -> memref<13312xi32, #tpu.memory_space<hbm>>
      tpu.wait_dma2 semaphore(%run_scoped3A : memref<!tpu.dma_semaphore, #tpu.memory_space<semaphore_mem>>) src(%dma_wait3A_213 : memref<13312xi32, #tpu.memory_space<hbm>>) dst(%arg5 : memref<13312xi32, #tpu.memory_space<vmem>>)
      tpu.yield
    }) : () -> ()
    %scan3A = arith.constant 0 : i32
    %scan3A_3 = arith.constant 832 : i32
    %scan3A_4 = arith.addi %scan3A, %scan3A_3 : i32
    %scan3A_5 = arith.constant 1 : i32
    scf.for %scan3A_210 = %scan3A to %scan3A_4 step %scan3A_5  : i32 {
      %mul3A_211 = arith.constant 16 : i32
      %mul3A_212 = arith.muli %scan3A_210, %mul3A_211 : i32
      %iota3A = tpu.iota {dimensions = array<i32: 0>} : vector<16xi32>
      %add3A_213 = vector.broadcast %mul3A_212 : i32 to vector<16xi32>
      %add3A_214 = arith.addi %add3A_213, %iota3A : vector<16xi32>
      %rem3A = arith.constant 26 : i32
      %rem3A_215 = vector.broadcast %rem3A : i32 to vector<16xi32>
      %rem3A_216 = arith.remsi %add3A_214, %rem3A_215 : vector<16xi32>
      %get3A = arith.index_cast %mul3A_212 : i32 to index
      %get3A_217 = tpu.vector_load %arg5[%get3A] {strides = array<i32>} : memref<13312xi32, #tpu.memory_space<vmem>>, vector<16xi32>,
      %get3A_218 = vector.shape_cast %get3A_217 : vector<16xi32> to vector<16xi32>
      %mul3A_219 = arith.constant 114688 : i32
      %mul3A_220 = vector.broadcast %mul3A_219 : i32 to vector<16xi32>
      %mul3A_221 = arith.muli %rem3A_216, %mul3A_220 : vector<16xi32>
      %shift_right_arithmetic3A = arith.constant 14 : i32
      %shift_right_arithmetic3A_222 = vector.broadcast %shift_right_arithmetic3A : i32 to vector<16xi32>
      %shift_right_arithmetic3A_223 = arith.shrsi %get3A_218, %shift_right_arithmetic3A_222 : vector<16xi32>
      %shift_left3A = arith.constant 14 : i32
      %shift_left3A_224 = vector.broadcast %shift_left3A : i32 to vector<16xi32>
      %shift_left3A_225 = arith.shli %shift_right_arithmetic3A_223, %shift_left3A_224 : vector<16xi32>
      %add3A_226 = arith.addi %mul3A_221, %shift_left3A_225 : vector<16xi32>
      %and3A = arith.constant 8191 : i32
      %and3A_227 = vector.broadcast %and3A : i32 to vector<16xi32>
      %and3A_228 = arith.andi %get3A_218, %and3A_227 : vector<16xi32>
      %shift_left3A_229 = arith.constant 1 : i32
      %shift_left3A_230 = vector.broadcast %shift_left3A_229 : i32 to vector<16xi32>
      %shift_left3A_231 = arith.shli %and3A_228, %shift_left3A_230 : vector<16xi32>
      %add3A_232 = arith.addi %add3A_226, %shift_left3A_231 : vector<16xi32>
      %shift_right_arithmetic3A_233 = arith.constant 13 : i32
      %shift_right_arithmetic3A_234 = vector.broadcast %shift_right_arithmetic3A_233 : i32 to vector<16xi32>
      %shift_right_arithmetic3A_235 = arith.shrsi %get3A_218, %shift_right_arithmetic3A_234 : vector<16xi32>
      %and3A_236 = arith.constant 1 : i32
      %and3A_237 = vector.broadcast %and3A_236 : i32 to vector<16xi32>
      %and3A_238 = arith.andi %shift_right_arithmetic3A_235, %and3A_237 : vector<16xi32>
      %add3A_239 = arith.addi %add3A_232, %and3A_238 : vector<16xi32>
      %swap3A = arith.index_cast %mul3A_212 : i32 to index
      %swap3A_240 = tpu.vector_load %arg5[%swap3A] {strides = array<i32>} : memref<13312xi32, #tpu.memory_space<vmem>>, vector<16xi32>,
      %swap3A_241 = vector.shape_cast %swap3A_240 : vector<16xi32> to vector<16xi32>
      %swap3A_242 = vector.shape_cast %add3A_239 : vector<16xi32> to vector<16xi32>
      tpu.vector_store %arg5[%swap3A], %swap3A_242 {strides = array<i32>} : memref<13312xi32, #tpu.memory_space<vmem>>, vector<16xi32>,
    }
    %scan3A_6 = arith.constant 832 : i32
    %dma_start3A = arith.constant 0 : i32
    %dma_start3A_7 = arith.constant 0 : i32
    %dma_start3A_8 = arith.constant 0 : i32
    %dma_start3A_9 = tpu.memref_slice %arg6[%dma_start3A, %dma_start3A_7, %dma_start3A_8] : memref<4x256x64xf32, #tpu.memory_space<vmem>> -> memref<1x256x64xf32, #tpu.memory_space<vmem>>
    %dma_start3A_10 = tpu.memref_squeeze %dma_start3A_9 : memref<1x256x64xf32, #tpu.memory_space<vmem>> -> memref<256x64xf32, #tpu.memory_space<vmem>>
    %dma_start3A_11 = arith.constant 0 : i32
    %dma_start3A_12 = tpu.memref_slice %arg5[%dma_start3A_11] : memref<13312xi32, #tpu.memory_space<vmem>> -> memref<256xi32, #tpu.memory_space<vmem>>
    %dma_start3A_13 = arith.constant 0 : i32
    %dma_start3A_14 = arith.constant 0 : i32
    %dma_start3A_15 = tpu.memref_slice %arg3[%dma_start3A_13, %dma_start3A_14] : memref<2981888x64xf32, #tpu.memory_space<hbm>> -> memref<2981888x64xf32, #tpu.memory_space<hbm>>
    tpu.enqueue_indirect_dma source(%dma_start3A_15 : memref<2981888x64xf32, #tpu.memory_space<hbm>>) target(%dma_start3A_10 : memref<256x64xf32, #tpu.memory_space<vmem>>) offsets(%dma_start3A_12 : memref<256xi32, #tpu.memory_space<vmem>>) semaphore(%arg7 : memref<!tpu.dma_semaphore, #tpu.memory_space<semaphore_mem>>)
    %dma_start3A_16 = arith.constant 1 : i32
    %dma_start3A_17 = arith.constant 0 : i32
    %dma_start3A_18 = arith.constant 0 : i32
    %dma_start3A_19 = tpu.memref_slice %arg6[%dma_start3A_16, %dma_start3A_17, %dma_start3A_18] : memref<4x256x64xf32, #tpu.memory_space<vmem>> -> memref<1x256x64xf32, #tpu.memory_space<vmem>>
    %dma_start3A_20 = tpu.memref_squeeze %dma_start3A_19 : memref<1x256x64xf32, #tpu.memory_space<vmem>> -> memref<256x64xf32, #tpu.memory_space<vmem>>
    %dma_start3A_21 = arith.constant 256 : i32
    %dma_start3A_22 = tpu.memref_slice %arg5[%dma_start3A_21] : memref<13312xi32, #tpu.memory_space<vmem>> -> memref<256xi32, #tpu.memory_space<vmem>>
    %dma_start3A_23 = arith.constant 0 : i32
    %dma_start3A_24 = arith.constant 0 : i32
    %dma_start3A_25 = tpu.memref_slice %arg3[%dma_start3A_23, %dma_start3A_24] : memref<2981888x64xf32, #tpu.memory_space<hbm>> -> memref<2981888x64xf32, #tpu.memory_space<hbm>>
    tpu.enqueue_indirect_dma source(%dma_start3A_25 : memref<2981888x64xf32, #tpu.memory_space<hbm>>) target(%dma_start3A_20 : memref<256x64xf32, #tpu.memory_space<vmem>>) offsets(%dma_start3A_22 : memref<256xi32, #tpu.memory_space<vmem>>) semaphore(%arg8 : memref<!tpu.dma_semaphore, #tpu.memory_space<semaphore_mem>>)
    %dma_start3A_26 = arith.constant 2 : i32
    %dma_start3A_27 = arith.constant 0 : i32
    %dma_start3A_28 = arith.constant 0 : i32
    %dma_start3A_29 = tpu.memref_slice %arg6[%dma_start3A_26, %dma_start3A_27, %dma_start3A_28] : memref<4x256x64xf32, #tpu.memory_space<vmem>> -> memref<1x256x64xf32, #tpu.memory_space<vmem>>
    %dma_start3A_30 = tpu.memref_squeeze %dma_start3A_29 : memref<1x256x64xf32, #tpu.memory_space<vmem>> -> memref<256x64xf32, #tpu.memory_space<vmem>>
    %dma_start3A_31 = arith.constant 512 : i32
    %dma_start3A_32 = tpu.memref_slice %arg5[%dma_start3A_31] : memref<13312xi32, #tpu.memory_space<vmem>> -> memref<256xi32, #tpu.memory_space<vmem>>
    %dma_start3A_33 = arith.constant 0 : i32
    %dma_start3A_34 = arith.constant 0 : i32
    %dma_start3A_35 = tpu.memref_slice %arg3[%dma_start3A_33, %dma_start3A_34] : memref<2981888x64xf32, #tpu.memory_space<hbm>> -> memref<2981888x64xf32, #tpu.memory_space<hbm>>
    tpu.enqueue_indirect_dma source(%dma_start3A_35 : memref<2981888x64xf32, #tpu.memory_space<hbm>>) target(%dma_start3A_30 : memref<256x64xf32, #tpu.memory_space<vmem>>) offsets(%dma_start3A_32 : memref<256xi32, #tpu.memory_space<vmem>>) semaphore(%arg9 : memref<!tpu.dma_semaphore, #tpu.memory_space<semaphore_mem>>)
    %dma_start3A_36 = arith.constant 3 : i32
    %dma_start3A_37 = arith.constant 0 : i32
    %dma_start3A_38 = arith.constant 0 : i32
    %dma_start3A_39 = tpu.memref_slice %arg6[%dma_start3A_36, %dma_start3A_37, %dma_start3A_38] : memref<4x256x64xf32, #tpu.memory_space<vmem>> -> memref<1x256x64xf32, #tpu.memory_space<vmem>>
    %dma_start3A_40 = tpu.memref_squeeze %dma_start3A_39 : memref<1x256x64xf32, #tpu.memory_space<vmem>> -> memref<256x64xf32, #tpu.memory_space<vmem>>
    %dma_start3A_41 = arith.constant 768 : i32
    %dma_start3A_42 = tpu.memref_slice %arg5[%dma_start3A_41] : memref<13312xi32, #tpu.memory_space<vmem>> -> memref<256xi32, #tpu.memory_space<vmem>>
    %dma_start3A_43 = arith.constant 0 : i32
    %dma_start3A_44 = arith.constant 0 : i32
    %dma_start3A_45 = tpu.memref_slice %arg3[%dma_start3A_43, %dma_start3A_44] : memref<2981888x64xf32, #tpu.memory_space<hbm>> -> memref<2981888x64xf32, #tpu.memory_space<hbm>>
    tpu.enqueue_indirect_dma source(%dma_start3A_45 : memref<2981888x64xf32, #tpu.memory_space<hbm>>) target(%dma_start3A_40 : memref<256x64xf32, #tpu.memory_space<vmem>>) offsets(%dma_start3A_42 : memref<256xi32, #tpu.memory_space<vmem>>) semaphore(%arg10 : memref<!tpu.dma_semaphore, #tpu.memory_space<semaphore_mem>>)
    %scan3A_46 = arith.constant 0 : i32
    %scan3A_47 = arith.constant 12 : i32
    %scan3A_48 = arith.addi %scan3A_46, %scan3A_47 : i32
    %scan3A_49 = arith.constant 1 : i32
    scf.for %scan3A_210 = %scan3A_46 to %scan3A_48 step %scan3A_49  : i32 {
      %mul3A_211 = arith.constant 4 : i32
      %mul3A_212 = arith.muli %scan3A_210, %mul3A_211 : i32
      %add3A_213 = arith.constant 0 : i32
      %add3A_214 = arith.addi %add3A_213, %mul3A_212 : i32
      %add3A_215 = arith.constant 0 : i32
      %add3A_216 = arith.addi %add3A_214, %add3A_215 : i32
      %mul3A_217 = arith.constant 256 : i32
      %mul3A_218 = arith.muli %add3A_216, %mul3A_217 : i32
      %dma_wait3A_219 = arith.constant 0 : i32
      %dma_wait3A_220 = arith.constant 0 : i32
      %dma_wait3A_221 = arith.constant 0 : i32
      %dma_wait3A_222 = tpu.memref_slice %arg6[%dma_wait3A_219, %dma_wait3A_220, %dma_wait3A_221] : memref<4x256x64xf32, #tpu.memory_space<vmem>> -> memref<1x256x64xf32, #tpu.memory_space<vmem>>
      %dma_wait3A_223 = tpu.memref_squeeze %dma_wait3A_222 : memref<1x256x64xf32, #tpu.memory_space<vmem>> -> memref<256x64xf32, #tpu.memory_space<vmem>>
      %dma_wait3A_224 = tpu.memref_slice %arg5[%mul3A_218] : memref<13312xi32, #tpu.memory_space<vmem>> -> memref<256xi32, #tpu.memory_space<vmem>>
      %dma_wait3A_225 = arith.constant 0 : i32
      %dma_wait3A_226 = arith.constant 0 : i32
      %dma_wait3A_227 = tpu.memref_slice %arg3[%dma_wait3A_225, %dma_wait3A_226] : memref<2981888x64xf32, #tpu.memory_space<hbm>> -> memref<2981888x64xf32, #tpu.memory_space<hbm>>
      tpu.wait_indirect_dma semaphore(%arg7 : memref<!tpu.dma_semaphore, #tpu.memory_space<semaphore_mem>>) src(%dma_wait3A_227 : memref<2981888x64xf32, #tpu.memory_space<hbm>>) dst(%dma_wait3A_223 : memref<256x64xf32, #tpu.memory_space<vmem>>)
      %mul3A_228 = arith.constant 256 : i32
      %mul3A_229 = arith.muli %add3A_216, %mul3A_228 : i32
      %add3A_230 = arith.addi %mul3A_2, %mul3A_229 : i32
      %dma_start3A_231 = arith.constant 0 : i32
      %dma_start3A_232 = arith.constant 0 : i32
      %dma_start3A_233 = arith.constant 0 : i32
      %dma_start3A_234 = tpu.memref_slice %arg6[%dma_start3A_231, %dma_start3A_232, %dma_start3A_233] : memref<4x256x64xf32, #tpu.memory_space<vmem>> -> memref<1x256x64xf32, #tpu.memory_space<vmem>>
      %dma_start3A_235 = tpu.memref_squeeze %dma_start3A_234 : memref<1x256x64xf32, #tpu.memory_space<vmem>> -> memref<256x64xf32, #tpu.memory_space<vmem>>
      %dma_start3A_236 = arith.constant 0 : i32
      %dma_start3A_237 = tpu.memref_slice %arg4[%add3A_230, %dma_start3A_236] : memref<425984x64xf32, #tpu.memory_space<hbm>> -> memref<256x64xf32, #tpu.memory_space<hbm>>
      %dma_start3A_238 = arith.constant 0 : i32
      %dma_start3A_239 = tpu.memref_slice %arg4[%add3A_230, %dma_start3A_238] : memref<425984x64xf32, #tpu.memory_space<hbm>> -> memref<256x64xf32, #tpu.memory_space<hbm>>
      %dma_start3A_240 = arith.constant 0 : i32
      %dma_start3A_241 = arith.constant 0 : i32
      %dma_start3A_242 = tpu.memref_slice %arg6[%dma_start3A_231, %dma_start3A_240, %dma_start3A_241] : memref<4x256x64xf32, #tpu.memory_space<vmem>> -> memref<1x256x64xf32, #tpu.memory_space<vmem>>
      %dma_start3A_243 = tpu.memref_squeeze %dma_start3A_242 : memref<1x256x64xf32, #tpu.memory_space<vmem>> -> memref<256x64xf32, #tpu.memory_space<vmem>>
      tpu.enqueue_dma source(%dma_start3A_243 : memref<256x64xf32, #tpu.memory_space<vmem>>) target(%dma_start3A_239 : memref<256x64xf32, #tpu.memory_space<hbm>>) target_semaphore(%arg11 : memref<!tpu.dma_semaphore, #tpu.memory_space<semaphore_mem>>)
      %mul3A_244 = arith.constant 256 : i32
      %mul3A_245 = arith.muli %add3A_216, %mul3A_244 : i32
      %add3A_246 = arith.addi %mul3A_2, %mul3A_245 : i32
      %dma_wait3A_247 = arith.constant 0 : i32
      %dma_wait3A_248 = arith.constant 0 : i32
      %dma_wait3A_249 = arith.constant 0 : i32
      %dma_wait3A_250 = tpu.memref_slice %arg6[%dma_wait3A_247, %dma_wait3A_248, %dma_wait3A_249] : memref<4x256x64xf32, #tpu.memory_space<vmem>> -> memref<1x256x64xf32, #tpu.memory_space<vmem>>
      %dma_wait3A_251 = tpu.memref_squeeze %dma_wait3A_250 : memref<1x256x64xf32, #tpu.memory_space<vmem>> -> memref<256x64xf32, #tpu.memory_space<vmem>>
      %dma_wait3A_252 = arith.constant 0 : i32
      %dma_wait3A_253 = tpu.memref_slice %arg4[%add3A_246, %dma_wait3A_252] : memref<425984x64xf32, #tpu.memory_space<hbm>> -> memref<256x64xf32, #tpu.memory_space<hbm>>
      %dma_wait3A_254 = arith.constant 0 : i32
      %dma_wait3A_255 = tpu.memref_slice %arg4[%add3A_246, %dma_wait3A_254] : memref<425984x64xf32, #tpu.memory_space<hbm>> -> memref<256x64xf32, #tpu.memory_space<hbm>>
      %dma_wait3A_256 = arith.constant 0 : i32
      %dma_wait3A_257 = arith.constant 0 : i32
      %dma_wait3A_258 = tpu.memref_slice %arg6[%dma_wait3A_247, %dma_wait3A_256, %dma_wait3A_257] : memref<4x256x64xf32, #tpu.memory_space<vmem>> -> memref<1x256x64xf32, #tpu.memory_space<vmem>>
      %dma_wait3A_259 = tpu.memref_squeeze %dma_wait3A_258 : memref<1x256x64xf32, #tpu.memory_space<vmem>> -> memref<256x64xf32, #tpu.memory_space<vmem>>
      tpu.wait_dma2 semaphore(%arg11 : memref<!tpu.dma_semaphore, #tpu.memory_space<semaphore_mem>>) src(%dma_wait3A_259 : memref<256x64xf32, #tpu.memory_space<vmem>>) dst(%dma_wait3A_255 : memref<256x64xf32, #tpu.memory_space<hbm>>)
      %add3A_260 = arith.constant 4 : i32
      %add3A_261 = arith.addi %add3A_216, %add3A_260 : i32
      %mul3A_262 = arith.constant 256 : i32
      %mul3A_263 = arith.muli %add3A_261, %mul3A_262 : i32
      %dma_start3A_264 = arith.constant 0 : i32
      %dma_start3A_265 = arith.constant 0 : i32
      %dma_start3A_266 = arith.constant 0 : i32
      %dma_start3A_267 = tpu.memref_slice %arg6[%dma_start3A_264, %dma_start3A_265, %dma_start3A_266] : memref<4x256x64xf32, #tpu.memory_space<vmem>> -> memref<1x256x64xf32, #tpu.memory_space<vmem>>
      %dma_start3A_268 = tpu.memref_squeeze %dma_start3A_267 : memref<1x256x64xf32, #tpu.memory_space<vmem>> -> memref<256x64xf32, #tpu.memory_space<vmem>>
      %dma_start3A_269 = tpu.memref_slice %arg5[%mul3A_263] : memref<13312xi32, #tpu.memory_space<vmem>> -> memref<256xi32, #tpu.memory_space<vmem>>
      %dma_start3A_270 = arith.constant 0 : i32
      %dma_start3A_271 = arith.constant 0 : i32
      %dma_start3A_272 = tpu.memref_slice %arg3[%dma_start3A_270, %dma_start3A_271] : memref<2981888x64xf32, #tpu.memory_space<hbm>> -> memref<2981888x64xf32, #tpu.memory_space<hbm>>
      tpu.enqueue_indirect_dma source(%dma_start3A_272 : memref<2981888x64xf32, #tpu.memory_space<hbm>>) target(%dma_start3A_268 : memref<256x64xf32, #tpu.memory_space<vmem>>) offsets(%dma_start3A_269 : memref<256xi32, #tpu.memory_space<vmem>>) semaphore(%arg7 : memref<!tpu.dma_semaphore, #tpu.memory_space<semaphore_mem>>)
      %add3A_273 = arith.constant 1 : i32
      %add3A_274 = arith.addi %add3A_214, %add3A_273 : i32
      %mul3A_275 = arith.constant 256 : i32
      %mul3A_276 = arith.muli %add3A_274, %mul3A_275 : i32
      %dma_wait3A_277 = arith.constant 1 : i32
      %dma_wait3A_278 = arith.constant 0 : i32
      %dma_wait3A_279 = arith.constant 0 : i32
      %dma_wait3A_280 = tpu.memref_slice %arg6[%dma_wait3A_277, %dma_wait3A_278, %dma_wait3A_279] : memref<4x256x64xf32, #tpu.memory_space<vmem>> -> memref<1x256x64xf32, #tpu.memory_space<vmem>>
      %dma_wait3A_281 = tpu.memref_squeeze %dma_wait3A_280 : memref<1x256x64xf32, #tpu.memory_space<vmem>> -> memref<256x64xf32, #tpu.memory_space<vmem>>
      %dma_wait3A_282 = tpu.memref_slice %arg5[%mul3A_276] : memref<13312xi32, #tpu.memory_space<vmem>> -> memref<256xi32, #tpu.memory_space<vmem>>
      %dma_wait3A_283 = arith.constant 0 : i32
      %dma_wait3A_284 = arith.constant 0 : i32
      %dma_wait3A_285 = tpu.memref_slice %arg3[%dma_wait3A_283, %dma_wait3A_284] : memref<2981888x64xf32, #tpu.memory_space<hbm>> -> memref<2981888x64xf32, #tpu.memory_space<hbm>>
      tpu.wait_indirect_dma semaphore(%arg8 : memref<!tpu.dma_semaphore, #tpu.memory_space<semaphore_mem>>) src(%dma_wait3A_285 : memref<2981888x64xf32, #tpu.memory_space<hbm>>) dst(%dma_wait3A_281 : memref<256x64xf32, #tpu.memory_space<vmem>>)
      %mul3A_286 = arith.constant 256 : i32
      %mul3A_287 = arith.muli %add3A_274, %mul3A_286 : i32
      %add3A_288 = arith.addi %mul3A_2, %mul3A_287 : i32
      %dma_start3A_289 = arith.constant 1 : i32
      %dma_start3A_290 = arith.constant 0 : i32
      %dma_start3A_291 = arith.constant 0 : i32
      %dma_start3A_292 = tpu.memref_slice %arg6[%dma_start3A_289, %dma_start3A_290, %dma_start3A_291] : memref<4x256x64xf32, #tpu.memory_space<vmem>> -> memref<1x256x64xf32, #tpu.memory_space<vmem>>
      %dma_start3A_293 = tpu.memref_squeeze %dma_start3A_292 : memref<1x256x64xf32, #tpu.memory_space<vmem>> -> memref<256x64xf32, #tpu.memory_space<vmem>>
      %dma_start3A_294 = arith.constant 0 : i32
      %dma_start3A_295 = tpu.memref_slice %arg4[%add3A_288, %dma_start3A_294] : memref<425984x64xf32, #tpu.memory_space<hbm>> -> memref<256x64xf32, #tpu.memory_space<hbm>>
      %dma_start3A_296 = arith.constant 0 : i32
      %dma_start3A_297 = tpu.memref_slice %arg4[%add3A_288, %dma_start3A_296] : memref<425984x64xf32, #tpu.memory_space<hbm>> -> memref<256x64xf32, #tpu.memory_space<hbm>>
      %dma_start3A_298 = arith.constant 0 : i32
      %dma_start3A_299 = arith.constant 0 : i32
      %dma_start3A_300 = tpu.memref_slice %arg6[%dma_start3A_289, %dma_start3A_298, %dma_start3A_299] : memref<4x256x64xf32, #tpu.memory_space<vmem>> -> memref<1x256x64xf32, #tpu.memory_space<vmem>>
      %dma_start3A_301 = tpu.memref_squeeze %dma_start3A_300 : memref<1x256x64xf32, #tpu.memory_space<vmem>> -> memref<256x64xf32, #tpu.memory_space<vmem>>
      tpu.enqueue_dma source(%dma_start3A_301 : memref<256x64xf32, #tpu.memory_space<vmem>>) target(%dma_start3A_297 : memref<256x64xf32, #tpu.memory_space<hbm>>) target_semaphore(%arg12 : memref<!tpu.dma_semaphore, #tpu.memory_space<semaphore_mem>>)
      %mul3A_302 = arith.constant 256 : i32
      %mul3A_303 = arith.muli %add3A_274, %mul3A_302 : i32
      %add3A_304 = arith.addi %mul3A_2, %mul3A_303 : i32
      %dma_wait3A_305 = arith.constant 1 : i32
      %dma_wait3A_306 = arith.constant 0 : i32
      %dma_wait3A_307 = arith.constant 0 : i32
      %dma_wait3A_308 = tpu.memref_slice %arg6[%dma_wait3A_305, %dma_wait3A_306, %dma_wait3A_307] : memref<4x256x64xf32, #tpu.memory_space<vmem>> -> memref<1x256x64xf32, #tpu.memory_space<vmem>>
      %dma_wait3A_309 = tpu.memref_squeeze %dma_wait3A_308 : memref<1x256x64xf32, #tpu.memory_space<vmem>> -> memref<256x64xf32, #tpu.memory_space<vmem>>
      %dma_wait3A_310 = arith.constant 0 : i32
      %dma_wait3A_311 = tpu.memref_slice %arg4[%add3A_304, %dma_wait3A_310] : memref<425984x64xf32, #tpu.memory_space<hbm>> -> memref<256x64xf32, #tpu.memory_space<hbm>>
      %dma_wait3A_312 = arith.constant 0 : i32
      %dma_wait3A_313 = tpu.memref_slice %arg4[%add3A_304, %dma_wait3A_312] : memref<425984x64xf32, #tpu.memory_space<hbm>> -> memref<256x64xf32, #tpu.memory_space<hbm>>
      %dma_wait3A_314 = arith.constant 0 : i32
      %dma_wait3A_315 = arith.constant 0 : i32
      %dma_wait3A_316 = tpu.memref_slice %arg6[%dma_wait3A_305, %dma_wait3A_314, %dma_wait3A_315] : memref<4x256x64xf32, #tpu.memory_space<vmem>> -> memref<1x256x64xf32, #tpu.memory_space<vmem>>
      %dma_wait3A_317 = tpu.memref_squeeze %dma_wait3A_316 : memref<1x256x64xf32, #tpu.memory_space<vmem>> -> memref<256x64xf32, #tpu.memory_space<vmem>>
      tpu.wait_dma2 semaphore(%arg12 : memref<!tpu.dma_semaphore, #tpu.memory_space<semaphore_mem>>) src(%dma_wait3A_317 : memref<256x64xf32, #tpu.memory_space<vmem>>) dst(%dma_wait3A_313 : memref<256x64xf32, #tpu.memory_space<hbm>>)
      %add3A_318 = arith.constant 4 : i32
      %add3A_319 = arith.addi %add3A_274, %add3A_318 : i32
      %mul3A_320 = arith.constant 256 : i32
      %mul3A_321 = arith.muli %add3A_319, %mul3A_320 : i32
      %dma_start3A_322 = arith.constant 1 : i32
      %dma_start3A_323 = arith.constant 0 : i32
      %dma_start3A_324 = arith.constant 0 : i32
      %dma_start3A_325 = tpu.memref_slice %arg6[%dma_start3A_322, %dma_start3A_323, %dma_start3A_324] : memref<4x256x64xf32, #tpu.memory_space<vmem>> -> memref<1x256x64xf32, #tpu.memory_space<vmem>>
      %dma_start3A_326 = tpu.memref_squeeze %dma_start3A_325 : memref<1x256x64xf32, #tpu.memory_space<vmem>> -> memref<256x64xf32, #tpu.memory_space<vmem>>
      %dma_start3A_327 = tpu.memref_slice %arg5[%mul3A_321] : memref<13312xi32, #tpu.memory_space<vmem>> -> memref<256xi32, #tpu.memory_space<vmem>>
      %dma_start3A_328 = arith.constant 0 : i32
      %dma_start3A_329 = arith.constant 0 : i32
      %dma_start3A_330 = tpu.memref_slice %arg3[%dma_start3A_328, %dma_start3A_329] : memref<2981888x64xf32, #tpu.memory_space<hbm>> -> memref<2981888x64xf32, #tpu.memory_space<hbm>>
      tpu.enqueue_indirect_dma source(%dma_start3A_330 : memref<2981888x64xf32, #tpu.memory_space<hbm>>) target(%dma_start3A_326 : memref<256x64xf32, #tpu.memory_space<vmem>>) offsets(%dma_start3A_327 : memref<256xi32, #tpu.memory_space<vmem>>) semaphore(%arg8 : memref<!tpu.dma_semaphore, #tpu.memory_space<semaphore_mem>>)
      %add3A_331 = arith.constant 2 : i32
      %add3A_332 = arith.addi %add3A_214, %add3A_331 : i32
      %mul3A_333 = arith.constant 256 : i32
      %mul3A_334 = arith.muli %add3A_332, %mul3A_333 : i32
      %dma_wait3A_335 = arith.constant 2 : i32
      %dma_wait3A_336 = arith.constant 0 : i32
      %dma_wait3A_337 = arith.constant 0 : i32
      %dma_wait3A_338 = tpu.memref_slice %arg6[%dma_wait3A_335, %dma_wait3A_336, %dma_wait3A_337] : memref<4x256x64xf32, #tpu.memory_space<vmem>> -> memref<1x256x64xf32, #tpu.memory_space<vmem>>
      %dma_wait3A_339 = tpu.memref_squeeze %dma_wait3A_338 : memref<1x256x64xf32, #tpu.memory_space<vmem>> -> memref<256x64xf32, #tpu.memory_space<vmem>>
      %dma_wait3A_340 = tpu.memref_slice %arg5[%mul3A_334] : memref<13312xi32, #tpu.memory_space<vmem>> -> memref<256xi32, #tpu.memory_space<vmem>>
      %dma_wait3A_341 = arith.constant 0 : i32
      %dma_wait3A_342 = arith.constant 0 : i32
      %dma_wait3A_343 = tpu.memref_slice %arg3[%dma_wait3A_341, %dma_wait3A_342] : memref<2981888x64xf32, #tpu.memory_space<hbm>> -> memref<2981888x64xf32, #tpu.memory_space<hbm>>
      tpu.wait_indirect_dma semaphore(%arg9 : memref<!tpu.dma_semaphore, #tpu.memory_space<semaphore_mem>>) src(%dma_wait3A_343 : memref<2981888x64xf32, #tpu.memory_space<hbm>>) dst(%dma_wait3A_339 : memref<256x64xf32, #tpu.memory_space<vmem>>)
      %mul3A_344 = arith.constant 256 : i32
      %mul3A_345 = arith.muli %add3A_332, %mul3A_344 : i32
      %add3A_346 = arith.addi %mul3A_2, %mul3A_345 : i32
      %dma_start3A_347 = arith.constant 2 : i32
      %dma_start3A_348 = arith.constant 0 : i32
      %dma_start3A_349 = arith.constant 0 : i32
      %dma_start3A_350 = tpu.memref_slice %arg6[%dma_start3A_347, %dma_start3A_348, %dma_start3A_349] : memref<4x256x64xf32, #tpu.memory_space<vmem>> -> memref<1x256x64xf32, #tpu.memory_space<vmem>>
      %dma_start3A_351 = tpu.memref_squeeze %dma_start3A_350 : memref<1x256x64xf32, #tpu.memory_space<vmem>> -> memref<256x64xf32, #tpu.memory_space<vmem>>
      %dma_start3A_352 = arith.constant 0 : i32
      %dma_start3A_353 = tpu.memref_slice %arg4[%add3A_346, %dma_start3A_352] : memref<425984x64xf32, #tpu.memory_space<hbm>> -> memref<256x64xf32, #tpu.memory_space<hbm>>
      %dma_start3A_354 = arith.constant 0 : i32
      %dma_start3A_355 = tpu.memref_slice %arg4[%add3A_346, %dma_start3A_354] : memref<425984x64xf32, #tpu.memory_space<hbm>> -> memref<256x64xf32, #tpu.memory_space<hbm>>
      %dma_start3A_356 = arith.constant 0 : i32
      %dma_start3A_357 = arith.constant 0 : i32
      %dma_start3A_358 = tpu.memref_slice %arg6[%dma_start3A_347, %dma_start3A_356, %dma_start3A_357] : memref<4x256x64xf32, #tpu.memory_space<vmem>> -> memref<1x256x64xf32, #tpu.memory_space<vmem>>
      %dma_start3A_359 = tpu.memref_squeeze %dma_start3A_358 : memref<1x256x64xf32, #tpu.memory_space<vmem>> -> memref<256x64xf32, #tpu.memory_space<vmem>>
      tpu.enqueue_dma source(%dma_start3A_359 : memref<256x64xf32, #tpu.memory_space<vmem>>) target(%dma_start3A_355 : memref<256x64xf32, #tpu.memory_space<hbm>>) target_semaphore(%arg13 : memref<!tpu.dma_semaphore, #tpu.memory_space<semaphore_mem>>)
      %mul3A_360 = arith.constant 256 : i32
      %mul3A_361 = arith.muli %add3A_332, %mul3A_360 : i32
      %add3A_362 = arith.addi %mul3A_2, %mul3A_361 : i32
      %dma_wait3A_363 = arith.constant 2 : i32
      %dma_wait3A_364 = arith.constant 0 : i32
      %dma_wait3A_365 = arith.constant 0 : i32
      %dma_wait3A_366 = tpu.memref_slice %arg6[%dma_wait3A_363, %dma_wait3A_364, %dma_wait3A_365] : memref<4x256x64xf32, #tpu.memory_space<vmem>> -> memref<1x256x64xf32, #tpu.memory_space<vmem>>
      %dma_wait3A_367 = tpu.memref_squeeze %dma_wait3A_366 : memref<1x256x64xf32, #tpu.memory_space<vmem>> -> memref<256x64xf32, #tpu.memory_space<vmem>>
      %dma_wait3A_368 = arith.constant 0 : i32
      %dma_wait3A_369 = tpu.memref_slice %arg4[%add3A_362, %dma_wait3A_368] : memref<425984x64xf32, #tpu.memory_space<hbm>> -> memref<256x64xf32, #tpu.memory_space<hbm>>
      %dma_wait3A_370 = arith.constant 0 : i32
      %dma_wait3A_371 = tpu.memref_slice %arg4[%add3A_362, %dma_wait3A_370] : memref<425984x64xf32, #tpu.memory_space<hbm>> -> memref<256x64xf32, #tpu.memory_space<hbm>>
      %dma_wait3A_372 = arith.constant 0 : i32
      %dma_wait3A_373 = arith.constant 0 : i32
      %dma_wait3A_374 = tpu.memref_slice %arg6[%dma_wait3A_363, %dma_wait3A_372, %dma_wait3A_373] : memref<4x256x64xf32, #tpu.memory_space<vmem>> -> memref<1x256x64xf32, #tpu.memory_space<vmem>>
      %dma_wait3A_375 = tpu.memref_squeeze %dma_wait3A_374 : memref<1x256x64xf32, #tpu.memory_space<vmem>> -> memref<256x64xf32, #tpu.memory_space<vmem>>
      tpu.wait_dma2 semaphore(%arg13 : memref<!tpu.dma_semaphore, #tpu.memory_space<semaphore_mem>>) src(%dma_wait3A_375 : memref<256x64xf32, #tpu.memory_space<vmem>>) dst(%dma_wait3A_371 : memref<256x64xf32, #tpu.memory_space<hbm>>)
      %add3A_376 = arith.constant 4 : i32
      %add3A_377 = arith.addi %add3A_332, %add3A_376 : i32
      %mul3A_378 = arith.constant 256 : i32
      %mul3A_379 = arith.muli %add3A_377, %mul3A_378 : i32
      %dma_start3A_380 = arith.constant 2 : i32
      %dma_start3A_381 = arith.constant 0 : i32
      %dma_start3A_382 = arith.constant 0 : i32
      %dma_start3A_383 = tpu.memref_slice %arg6[%dma_start3A_380, %dma_start3A_381, %dma_start3A_382] : memref<4x256x64xf32, #tpu.memory_space<vmem>> -> memref<1x256x64xf32, #tpu.memory_space<vmem>>
      %dma_start3A_384 = tpu.memref_squeeze %dma_start3A_383 : memref<1x256x64xf32, #tpu.memory_space<vmem>> -> memref<256x64xf32, #tpu.memory_space<vmem>>
      %dma_start3A_385 = tpu.memref_slice %arg5[%mul3A_379] : memref<13312xi32, #tpu.memory_space<vmem>> -> memref<256xi32, #tpu.memory_space<vmem>>
      %dma_start3A_386 = arith.constant 0 : i32
      %dma_start3A_387 = arith.constant 0 : i32
      %dma_start3A_388 = tpu.memref_slice %arg3[%dma_start3A_386, %dma_start3A_387] : memref<2981888x64xf32, #tpu.memory_space<hbm>> -> memref<2981888x64xf32, #tpu.memory_space<hbm>>
      tpu.enqueue_indirect_dma source(%dma_start3A_388 : memref<2981888x64xf32, #tpu.memory_space<hbm>>) target(%dma_start3A_384 : memref<256x64xf32, #tpu.memory_space<vmem>>) offsets(%dma_start3A_385 : memref<256xi32, #tpu.memory_space<vmem>>) semaphore(%arg9 : memref<!tpu.dma_semaphore, #tpu.memory_space<semaphore_mem>>)
      %add3A_389 = arith.constant 3 : i32
      %add3A_390 = arith.addi %add3A_214, %add3A_389 : i32
      %mul3A_391 = arith.constant 256 : i32
      %mul3A_392 = arith.muli %add3A_390, %mul3A_391 : i32
      %dma_wait3A_393 = arith.constant 3 : i32
      %dma_wait3A_394 = arith.constant 0 : i32
      %dma_wait3A_395 = arith.constant 0 : i32
      %dma_wait3A_396 = tpu.memref_slice %arg6[%dma_wait3A_393, %dma_wait3A_394, %dma_wait3A_395] : memref<4x256x64xf32, #tpu.memory_space<vmem>> -> memref<1x256x64xf32, #tpu.memory_space<vmem>>
      %dma_wait3A_397 = tpu.memref_squeeze %dma_wait3A_396 : memref<1x256x64xf32, #tpu.memory_space<vmem>> -> memref<256x64xf32, #tpu.memory_space<vmem>>
      %dma_wait3A_398 = tpu.memref_slice %arg5[%mul3A_392] : memref<13312xi32, #tpu.memory_space<vmem>> -> memref<256xi32, #tpu.memory_space<vmem>>
      %dma_wait3A_399 = arith.constant 0 : i32
      %dma_wait3A_400 = arith.constant 0 : i32
      %dma_wait3A_401 = tpu.memref_slice %arg3[%dma_wait3A_399, %dma_wait3A_400] : memref<2981888x64xf32, #tpu.memory_space<hbm>> -> memref<2981888x64xf32, #tpu.memory_space<hbm>>
      tpu.wait_indirect_dma semaphore(%arg10 : memref<!tpu.dma_semaphore, #tpu.memory_space<semaphore_mem>>) src(%dma_wait3A_401 : memref<2981888x64xf32, #tpu.memory_space<hbm>>) dst(%dma_wait3A_397 : memref<256x64xf32, #tpu.memory_space<vmem>>)
      %mul3A_402 = arith.constant 256 : i32
      %mul3A_403 = arith.muli %add3A_390, %mul3A_402 : i32
      %add3A_404 = arith.addi %mul3A_2, %mul3A_403 : i32
      %dma_start3A_405 = arith.constant 3 : i32
      %dma_start3A_406 = arith.constant 0 : i32
      %dma_start3A_407 = arith.constant 0 : i32
      %dma_start3A_408 = tpu.memref_slice %arg6[%dma_start3A_405, %dma_start3A_406, %dma_start3A_407] : memref<4x256x64xf32, #tpu.memory_space<vmem>> -> memref<1x256x64xf32, #tpu.memory_space<vmem>>
      %dma_start3A_409 = tpu.memref_squeeze %dma_start3A_408 : memref<1x256x64xf32, #tpu.memory_space<vmem>> -> memref<256x64xf32, #tpu.memory_space<vmem>>
      %dma_start3A_410 = arith.constant 0 : i32
      %dma_start3A_411 = tpu.memref_slice %arg4[%add3A_404, %dma_start3A_410] : memref<425984x64xf32, #tpu.memory_space<hbm>> -> memref<256x64xf32, #tpu.memory_space<hbm>>
      %dma_start3A_412 = arith.constant 0 : i32
      %dma_start3A_413 = tpu.memref_slice %arg4[%add3A_404, %dma_start3A_412] : memref<425984x64xf32, #tpu.memory_space<hbm>> -> memref<256x64xf32, #tpu.memory_space<hbm>>
      %dma_start3A_414 = arith.constant 0 : i32
      %dma_start3A_415 = arith.constant 0 : i32
      %dma_start3A_416 = tpu.memref_slice %arg6[%dma_start3A_405, %dma_start3A_414, %dma_start3A_415] : memref<4x256x64xf32, #tpu.memory_space<vmem>> -> memref<1x256x64xf32, #tpu.memory_space<vmem>>
      %dma_start3A_417 = tpu.memref_squeeze %dma_start3A_416 : memref<1x256x64xf32, #tpu.memory_space<vmem>> -> memref<256x64xf32, #tpu.memory_space<vmem>>
      tpu.enqueue_dma source(%dma_start3A_417 : memref<256x64xf32, #tpu.memory_space<vmem>>) target(%dma_start3A_413 : memref<256x64xf32, #tpu.memory_space<hbm>>) target_semaphore(%arg14 : memref<!tpu.dma_semaphore, #tpu.memory_space<semaphore_mem>>)
      %mul3A_418 = arith.constant 256 : i32
      %mul3A_419 = arith.muli %add3A_390, %mul3A_418 : i32
      %add3A_420 = arith.addi %mul3A_2, %mul3A_419 : i32
      %dma_wait3A_421 = arith.constant 3 : i32
      %dma_wait3A_422 = arith.constant 0 : i32
      %dma_wait3A_423 = arith.constant 0 : i32
      %dma_wait3A_424 = tpu.memref_slice %arg6[%dma_wait3A_421, %dma_wait3A_422, %dma_wait3A_423] : memref<4x256x64xf32, #tpu.memory_space<vmem>> -> memref<1x256x64xf32, #tpu.memory_space<vmem>>
      %dma_wait3A_425 = tpu.memref_squeeze %dma_wait3A_424 : memref<1x256x64xf32, #tpu.memory_space<vmem>> -> memref<256x64xf32, #tpu.memory_space<vmem>>
      %dma_wait3A_426 = arith.constant 0 : i32
      %dma_wait3A_427 = tpu.memref_slice %arg4[%add3A_420, %dma_wait3A_426] : memref<425984x64xf32, #tpu.memory_space<hbm>> -> memref<256x64xf32, #tpu.memory_space<hbm>>
      %dma_wait3A_428 = arith.constant 0 : i32
      %dma_wait3A_429 = tpu.memref_slice %arg4[%add3A_420, %dma_wait3A_428] : memref<425984x64xf32, #tpu.memory_space<hbm>> -> memref<256x64xf32, #tpu.memory_space<hbm>>
      %dma_wait3A_430 = arith.constant 0 : i32
      %dma_wait3A_431 = arith.constant 0 : i32
      %dma_wait3A_432 = tpu.memref_slice %arg6[%dma_wait3A_421, %dma_wait3A_430, %dma_wait3A_431] : memref<4x256x64xf32, #tpu.memory_space<vmem>> -> memref<1x256x64xf32, #tpu.memory_space<vmem>>
      %dma_wait3A_433 = tpu.memref_squeeze %dma_wait3A_432 : memref<1x256x64xf32, #tpu.memory_space<vmem>> -> memref<256x64xf32, #tpu.memory_space<vmem>>
      tpu.wait_dma2 semaphore(%arg14 : memref<!tpu.dma_semaphore, #tpu.memory_space<semaphore_mem>>) src(%dma_wait3A_433 : memref<256x64xf32, #tpu.memory_space<vmem>>) dst(%dma_wait3A_429 : memref<256x64xf32, #tpu.memory_space<hbm>>)
      %add3A_434 = arith.constant 4 : i32
      %add3A_435 = arith.addi %add3A_390, %add3A_434 : i32
      %mul3A_436 = arith.constant 256 : i32
      %mul3A_437 = arith.muli %add3A_435, %mul3A_436 : i32
      %dma_start3A_438 = arith.constant 3 : i32
      %dma_start3A_439 = arith.constant 0 : i32
      %dma_start3A_440 = arith.constant 0 : i32
      %dma_start3A_441 = tpu.memref_slice %arg6[%dma_start3A_438, %dma_start3A_439, %dma_start3A_440] : memref<4x256x64xf32, #tpu.memory_space<vmem>> -> memref<1x256x64xf32, #tpu.memory_space<vmem>>
      %dma_start3A_442 = tpu.memref_squeeze %dma_start3A_441 : memref<1x256x64xf32, #tpu.memory_space<vmem>> -> memref<256x64xf32, #tpu.memory_space<vmem>>
      %dma_start3A_443 = tpu.memref_slice %arg5[%mul3A_437] : memref<13312xi32, #tpu.memory_space<vmem>> -> memref<256xi32, #tpu.memory_space<vmem>>
      %dma_start3A_444 = arith.constant 0 : i32
      %dma_start3A_445 = arith.constant 0 : i32
      %dma_start3A_446 = tpu.memref_slice %arg3[%dma_start3A_444, %dma_start3A_445] : memref<2981888x64xf32, #tpu.memory_space<hbm>> -> memref<2981888x64xf32, #tpu.memory_space<hbm>>
      tpu.enqueue_indirect_dma source(%dma_start3A_446 : memref<2981888x64xf32, #tpu.memory_space<hbm>>) target(%dma_start3A_442 : memref<256x64xf32, #tpu.memory_space<vmem>>) offsets(%dma_start3A_443 : memref<256xi32, #tpu.memory_space<vmem>>) semaphore(%arg10 : memref<!tpu.dma_semaphore, #tpu.memory_space<semaphore_mem>>)
    }
    %scan3A_50 = arith.constant 12 : i32
    %dma_wait3A = arith.constant 0 : i32
    %dma_wait3A_51 = arith.constant 0 : i32
    %dma_wait3A_52 = arith.constant 0 : i32
    %dma_wait3A_53 = tpu.memref_slice %arg6[%dma_wait3A, %dma_wait3A_51, %dma_wait3A_52] : memref<4x256x64xf32, #tpu.memory_space<vmem>> -> memref<1x256x64xf32, #tpu.memory_space<vmem>>
    %dma_wait3A_54 = tpu.memref_squeeze %dma_wait3A_53 : memref<1x256x64xf32, #tpu.memory_space<vmem>> -> memref<256x64xf32, #tpu.memory_space<vmem>>
    %dma_wait3A_55 = arith.constant 12288 : i32
    %dma_wait3A_56 = tpu.memref_slice %arg5[%dma_wait3A_55] : memref<13312xi32, #tpu.memory_space<vmem>> -> memref<256xi32, #tpu.memory_space<vmem>>
    %dma_wait3A_57 = arith.constant 0 : i32
    %dma_wait3A_58 = arith.constant 0 : i32
    %dma_wait3A_59 = tpu.memref_slice %arg3[%dma_wait3A_57, %dma_wait3A_58] : memref<2981888x64xf32, #tpu.memory_space<hbm>> -> memref<2981888x64xf32, #tpu.memory_space<hbm>>
    tpu.wait_indirect_dma semaphore(%arg7 : memref<!tpu.dma_semaphore, #tpu.memory_space<semaphore_mem>>) src(%dma_wait3A_59 : memref<2981888x64xf32, #tpu.memory_space<hbm>>) dst(%dma_wait3A_54 : memref<256x64xf32, #tpu.memory_space<vmem>>)
    %add3A_60 = arith.constant 12288 : i32
    %add3A_61 = arith.addi %mul3A_2, %add3A_60 : i32
    %dma_start3A_62 = arith.constant 0 : i32
    %dma_start3A_63 = arith.constant 0 : i32
    %dma_start3A_64 = arith.constant 0 : i32
    %dma_start3A_65 = tpu.memref_slice %arg6[%dma_start3A_62, %dma_start3A_63, %dma_start3A_64] : memref<4x256x64xf32, #tpu.memory_space<vmem>> -> memref<1x256x64xf32, #tpu.memory_space<vmem>>
    %dma_start3A_66 = tpu.memref_squeeze %dma_start3A_65 : memref<1x256x64xf32, #tpu.memory_space<vmem>> -> memref<256x64xf32, #tpu.memory_space<vmem>>
    %dma_start3A_67 = arith.constant 0 : i32
    %dma_start3A_68 = tpu.memref_slice %arg4[%add3A_61, %dma_start3A_67] : memref<425984x64xf32, #tpu.memory_space<hbm>> -> memref<256x64xf32, #tpu.memory_space<hbm>>
    %dma_start3A_69 = arith.constant 0 : i32
    %dma_start3A_70 = tpu.memref_slice %arg4[%add3A_61, %dma_start3A_69] : memref<425984x64xf32, #tpu.memory_space<hbm>> -> memref<256x64xf32, #tpu.memory_space<hbm>>
    %dma_start3A_71 = arith.constant 0 : i32
    %dma_start3A_72 = arith.constant 0 : i32
    %dma_start3A_73 = tpu.memref_slice %arg6[%dma_start3A_62, %dma_start3A_71, %dma_start3A_72] : memref<4x256x64xf32, #tpu.memory_space<vmem>> -> memref<1x256x64xf32, #tpu.memory_space<vmem>>
    %dma_start3A_74 = tpu.memref_squeeze %dma_start3A_73 : memref<1x256x64xf32, #tpu.memory_space<vmem>> -> memref<256x64xf32, #tpu.memory_space<vmem>>
    tpu.enqueue_dma source(%dma_start3A_74 : memref<256x64xf32, #tpu.memory_space<vmem>>) target(%dma_start3A_70 : memref<256x64xf32, #tpu.memory_space<hbm>>) target_semaphore(%arg11 : memref<!tpu.dma_semaphore, #tpu.memory_space<semaphore_mem>>)
    %dma_wait3A_75 = arith.constant 1 : i32
    %dma_wait3A_76 = arith.constant 0 : i32
    %dma_wait3A_77 = arith.constant 0 : i32
    %dma_wait3A_78 = tpu.memref_slice %arg6[%dma_wait3A_75, %dma_wait3A_76, %dma_wait3A_77] : memref<4x256x64xf32, #tpu.memory_space<vmem>> -> memref<1x256x64xf32, #tpu.memory_space<vmem>>
    %dma_wait3A_79 = tpu.memref_squeeze %dma_wait3A_78 : memref<1x256x64xf32, #tpu.memory_space<vmem>> -> memref<256x64xf32, #tpu.memory_space<vmem>>
    %dma_wait3A_80 = arith.constant 12544 : i32
    %dma_wait3A_81 = tpu.memref_slice %arg5[%dma_wait3A_80] : memref<13312xi32, #tpu.memory_space<vmem>> -> memref<256xi32, #tpu.memory_space<vmem>>
    %dma_wait3A_82 = arith.constant 0 : i32
    %dma_wait3A_83 = arith.constant 0 : i32
    %dma_wait3A_84 = tpu.memref_slice %arg3[%dma_wait3A_82, %dma_wait3A_83] : memref<2981888x64xf32, #tpu.memory_space<hbm>> -> memref<2981888x64xf32, #tpu.memory_space<hbm>>
    tpu.wait_indirect_dma semaphore(%arg8 : memref<!tpu.dma_semaphore, #tpu.memory_space<semaphore_mem>>) src(%dma_wait3A_84 : memref<2981888x64xf32, #tpu.memory_space<hbm>>) dst(%dma_wait3A_79 : memref<256x64xf32, #tpu.memory_space<vmem>>)
    %add3A_85 = arith.constant 12544 : i32
    %add3A_86 = arith.addi %mul3A_2, %add3A_85 : i32
    %dma_start3A_87 = arith.constant 1 : i32
    %dma_start3A_88 = arith.constant 0 : i32
    %dma_start3A_89 = arith.constant 0 : i32
    %dma_start3A_90 = tpu.memref_slice %arg6[%dma_start3A_87, %dma_start3A_88, %dma_start3A_89] : memref<4x256x64xf32, #tpu.memory_space<vmem>> -> memref<1x256x64xf32, #tpu.memory_space<vmem>>
    %dma_start3A_91 = tpu.memref_squeeze %dma_start3A_90 : memref<1x256x64xf32, #tpu.memory_space<vmem>> -> memref<256x64xf32, #tpu.memory_space<vmem>>
    %dma_start3A_92 = arith.constant 0 : i32
    %dma_start3A_93 = tpu.memref_slice %arg4[%add3A_86, %dma_start3A_92] : memref<425984x64xf32, #tpu.memory_space<hbm>> -> memref<256x64xf32, #tpu.memory_space<hbm>>
    %dma_start3A_94 = arith.constant 0 : i32
    %dma_start3A_95 = tpu.memref_slice %arg4[%add3A_86, %dma_start3A_94] : memref<425984x64xf32, #tpu.memory_space<hbm>> -> memref<256x64xf32, #tpu.memory_space<hbm>>
    %dma_start3A_96 = arith.constant 0 : i32
    %dma_start3A_97 = arith.constant 0 : i32
    %dma_start3A_98 = tpu.memref_slice %arg6[%dma_start3A_87, %dma_start3A_96, %dma_start3A_97] : memref<4x256x64xf32, #tpu.memory_space<vmem>> -> memref<1x256x64xf32, #tpu.memory_space<vmem>>
    %dma_start3A_99 = tpu.memref_squeeze %dma_start3A_98 : memref<1x256x64xf32, #tpu.memory_space<vmem>> -> memref<256x64xf32, #tpu.memory_space<vmem>>
    tpu.enqueue_dma source(%dma_start3A_99 : memref<256x64xf32, #tpu.memory_space<vmem>>) target(%dma_start3A_95 : memref<256x64xf32, #tpu.memory_space<hbm>>) target_semaphore(%arg12 : memref<!tpu.dma_semaphore, #tpu.memory_space<semaphore_mem>>)
    %dma_wait3A_100 = arith.constant 2 : i32
    %dma_wait3A_101 = arith.constant 0 : i32
    %dma_wait3A_102 = arith.constant 0 : i32
    %dma_wait3A_103 = tpu.memref_slice %arg6[%dma_wait3A_100, %dma_wait3A_101, %dma_wait3A_102] : memref<4x256x64xf32, #tpu.memory_space<vmem>> -> memref<1x256x64xf32, #tpu.memory_space<vmem>>
    %dma_wait3A_104 = tpu.memref_squeeze %dma_wait3A_103 : memref<1x256x64xf32, #tpu.memory_space<vmem>> -> memref<256x64xf32, #tpu.memory_space<vmem>>
    %dma_wait3A_105 = arith.constant 12800 : i32
    %dma_wait3A_106 = tpu.memref_slice %arg5[%dma_wait3A_105] : memref<13312xi32, #tpu.memory_space<vmem>> -> memref<256xi32, #tpu.memory_space<vmem>>
    %dma_wait3A_107 = arith.constant 0 : i32
    %dma_wait3A_108 = arith.constant 0 : i32
    %dma_wait3A_109 = tpu.memref_slice %arg3[%dma_wait3A_107, %dma_wait3A_108] : memref<2981888x64xf32, #tpu.memory_space<hbm>> -> memref<2981888x64xf32, #tpu.memory_space<hbm>>
    tpu.wait_indirect_dma semaphore(%arg9 : memref<!tpu.dma_semaphore, #tpu.memory_space<semaphore_mem>>) src(%dma_wait3A_109 : memref<2981888x64xf32, #tpu.memory_space<hbm>>) dst(%dma_wait3A_104 : memref<256x64xf32, #tpu.memory_space<vmem>>)
    %add3A_110 = arith.constant 12800 : i32
    %add3A_111 = arith.addi %mul3A_2, %add3A_110 : i32
    %dma_start3A_112 = arith.constant 2 : i32
    %dma_start3A_113 = arith.constant 0 : i32
    %dma_start3A_114 = arith.constant 0 : i32
    %dma_start3A_115 = tpu.memref_slice %arg6[%dma_start3A_112, %dma_start3A_113, %dma_start3A_114] : memref<4x256x64xf32, #tpu.memory_space<vmem>> -> memref<1x256x64xf32, #tpu.memory_space<vmem>>
    %dma_start3A_116 = tpu.memref_squeeze %dma_start3A_115 : memref<1x256x64xf32, #tpu.memory_space<vmem>> -> memref<256x64xf32, #tpu.memory_space<vmem>>
    %dma_start3A_117 = arith.constant 0 : i32
    %dma_start3A_118 = tpu.memref_slice %arg4[%add3A_111, %dma_start3A_117] : memref<425984x64xf32, #tpu.memory_space<hbm>> -> memref<256x64xf32, #tpu.memory_space<hbm>>
    %dma_start3A_119 = arith.constant 0 : i32
    %dma_start3A_120 = tpu.memref_slice %arg4[%add3A_111, %dma_start3A_119] : memref<425984x64xf32, #tpu.memory_space<hbm>> -> memref<256x64xf32, #tpu.memory_space<hbm>>
    %dma_start3A_121 = arith.constant 0 : i32
    %dma_start3A_122 = arith.constant 0 : i32
    %dma_start3A_123 = tpu.memref_slice %arg6[%dma_start3A_112, %dma_start3A_121, %dma_start3A_122] : memref<4x256x64xf32, #tpu.memory_space<vmem>> -> memref<1x256x64xf32, #tpu.memory_space<vmem>>
    %dma_start3A_124 = tpu.memref_squeeze %dma_start3A_123 : memref<1x256x64xf32, #tpu.memory_space<vmem>> -> memref<256x64xf32, #tpu.memory_space<vmem>>
    tpu.enqueue_dma source(%dma_start3A_124 : memref<256x64xf32, #tpu.memory_space<vmem>>) target(%dma_start3A_120 : memref<256x64xf32, #tpu.memory_space<hbm>>) target_semaphore(%arg13 : memref<!tpu.dma_semaphore, #tpu.memory_space<semaphore_mem>>)
    %dma_wait3A_125 = arith.constant 3 : i32
    %dma_wait3A_126 = arith.constant 0 : i32
    %dma_wait3A_127 = arith.constant 0 : i32
    %dma_wait3A_128 = tpu.memref_slice %arg6[%dma_wait3A_125, %dma_wait3A_126, %dma_wait3A_127] : memref<4x256x64xf32, #tpu.memory_space<vmem>> -> memref<1x256x64xf32, #tpu.memory_space<vmem>>
    %dma_wait3A_129 = tpu.memref_squeeze %dma_wait3A_128 : memref<1x256x64xf32, #tpu.memory_space<vmem>> -> memref<256x64xf32, #tpu.memory_space<vmem>>
    %dma_wait3A_130 = arith.constant 13056 : i32
    %dma_wait3A_131 = tpu.memref_slice %arg5[%dma_wait3A_130] : memref<13312xi32, #tpu.memory_space<vmem>> -> memref<256xi32, #tpu.memory_space<vmem>>
    %dma_wait3A_132 = arith.constant 0 : i32
    %dma_wait3A_133 = arith.constant 0 : i32
    %dma_wait3A_134 = tpu.memref_slice %arg3[%dma_wait3A_132, %dma_wait3A_133] : memref<2981888x64xf32, #tpu.memory_space<hbm>> -> memref<2981888x64xf32, #tpu.memory_space<hbm>>
    tpu.wait_indirect_dma semaphore(%arg10 : memref<!tpu.dma_semaphore, #tpu.memory_space<semaphore_mem>>) src(%dma_wait3A_134 : memref<2981888x64xf32, #tpu.memory_space<hbm>>) dst(%dma_wait3A_129 : memref<256x64xf32, #tpu.memory_space<vmem>>)
    %add3A_135 = arith.constant 13056 : i32
    %add3A_136 = arith.addi %mul3A_2, %add3A_135 : i32
    %dma_start3A_137 = arith.constant 3 : i32
    %dma_start3A_138 = arith.constant 0 : i32
    %dma_start3A_139 = arith.constant 0 : i32
    %dma_start3A_140 = tpu.memref_slice %arg6[%dma_start3A_137, %dma_start3A_138, %dma_start3A_139] : memref<4x256x64xf32, #tpu.memory_space<vmem>> -> memref<1x256x64xf32, #tpu.memory_space<vmem>>
    %dma_start3A_141 = tpu.memref_squeeze %dma_start3A_140 : memref<1x256x64xf32, #tpu.memory_space<vmem>> -> memref<256x64xf32, #tpu.memory_space<vmem>>
    %dma_start3A_142 = arith.constant 0 : i32
    %dma_start3A_143 = tpu.memref_slice %arg4[%add3A_136, %dma_start3A_142] : memref<425984x64xf32, #tpu.memory_space<hbm>> -> memref<256x64xf32, #tpu.memory_space<hbm>>
    %dma_start3A_144 = arith.constant 0 : i32
    %dma_start3A_145 = tpu.memref_slice %arg4[%add3A_136, %dma_start3A_144] : memref<425984x64xf32, #tpu.memory_space<hbm>> -> memref<256x64xf32, #tpu.memory_space<hbm>>
    %dma_start3A_146 = arith.constant 0 : i32
    %dma_start3A_147 = arith.constant 0 : i32
    %dma_start3A_148 = tpu.memref_slice %arg6[%dma_start3A_137, %dma_start3A_146, %dma_start3A_147] : memref<4x256x64xf32, #tpu.memory_space<vmem>> -> memref<1x256x64xf32, #tpu.memory_space<vmem>>
    %dma_start3A_149 = tpu.memref_squeeze %dma_start3A_148 : memref<1x256x64xf32, #tpu.memory_space<vmem>> -> memref<256x64xf32, #tpu.memory_space<vmem>>
    tpu.enqueue_dma source(%dma_start3A_149 : memref<256x64xf32, #tpu.memory_space<vmem>>) target(%dma_start3A_145 : memref<256x64xf32, #tpu.memory_space<hbm>>) target_semaphore(%arg14 : memref<!tpu.dma_semaphore, #tpu.memory_space<semaphore_mem>>)
    %add3A_150 = arith.constant 12288 : i32
    %add3A_151 = arith.addi %mul3A_2, %add3A_150 : i32
    %dma_wait3A_152 = arith.constant 0 : i32
    %dma_wait3A_153 = arith.constant 0 : i32
    %dma_wait3A_154 = arith.constant 0 : i32
    %dma_wait3A_155 = tpu.memref_slice %arg6[%dma_wait3A_152, %dma_wait3A_153, %dma_wait3A_154] : memref<4x256x64xf32, #tpu.memory_space<vmem>> -> memref<1x256x64xf32, #tpu.memory_space<vmem>>
    %dma_wait3A_156 = tpu.memref_squeeze %dma_wait3A_155 : memref<1x256x64xf32, #tpu.memory_space<vmem>> -> memref<256x64xf32, #tpu.memory_space<vmem>>
    %dma_wait3A_157 = arith.constant 0 : i32
    %dma_wait3A_158 = tpu.memref_slice %arg4[%add3A_151, %dma_wait3A_157] : memref<425984x64xf32, #tpu.memory_space<hbm>> -> memref<256x64xf32, #tpu.memory_space<hbm>>
    %dma_wait3A_159 = arith.constant 0 : i32
    %dma_wait3A_160 = tpu.memref_slice %arg4[%add3A_151, %dma_wait3A_159] : memref<425984x64xf32, #tpu.memory_space<hbm>> -> memref<256x64xf32, #tpu.memory_space<hbm>>
    %dma_wait3A_161 = arith.constant 0 : i32
    %dma_wait3A_162 = arith.constant 0 : i32
    %dma_wait3A_163 = tpu.memref_slice %arg6[%dma_wait3A_152, %dma_wait3A_161, %dma_wait3A_162] : memref<4x256x64xf32, #tpu.memory_space<vmem>> -> memref<1x256x64xf32, #tpu.memory_space<vmem>>
    %dma_wait3A_164 = tpu.memref_squeeze %dma_wait3A_163 : memref<1x256x64xf32, #tpu.memory_space<vmem>> -> memref<256x64xf32, #tpu.memory_space<vmem>>
    tpu.wait_dma2 semaphore(%arg11 : memref<!tpu.dma_semaphore, #tpu.memory_space<semaphore_mem>>) src(%dma_wait3A_164 : memref<256x64xf32, #tpu.memory_space<vmem>>) dst(%dma_wait3A_160 : memref<256x64xf32, #tpu.memory_space<hbm>>)
    %add3A_165 = arith.constant 12544 : i32
    %add3A_166 = arith.addi %mul3A_2, %add3A_165 : i32
    %dma_wait3A_167 = arith.constant 1 : i32
    %dma_wait3A_168 = arith.constant 0 : i32
    %dma_wait3A_169 = arith.constant 0 : i32
    %dma_wait3A_170 = tpu.memref_slice %arg6[%dma_wait3A_167, %dma_wait3A_168, %dma_wait3A_169] : memref<4x256x64xf32, #tpu.memory_space<vmem>> -> memref<1x256x64xf32, #tpu.memory_space<vmem>>
    %dma_wait3A_171 = tpu.memref_squeeze %dma_wait3A_170 : memref<1x256x64xf32, #tpu.memory_space<vmem>> -> memref<256x64xf32, #tpu.memory_space<vmem>>
    %dma_wait3A_172 = arith.constant 0 : i32
    %dma_wait3A_173 = tpu.memref_slice %arg4[%add3A_166, %dma_wait3A_172] : memref<425984x64xf32, #tpu.memory_space<hbm>> -> memref<256x64xf32, #tpu.memory_space<hbm>>
    %dma_wait3A_174 = arith.constant 0 : i32
    %dma_wait3A_175 = tpu.memref_slice %arg4[%add3A_166, %dma_wait3A_174] : memref<425984x64xf32, #tpu.memory_space<hbm>> -> memref<256x64xf32, #tpu.memory_space<hbm>>
    %dma_wait3A_176 = arith.constant 0 : i32
    %dma_wait3A_177 = arith.constant 0 : i32
    %dma_wait3A_178 = tpu.memref_slice %arg6[%dma_wait3A_167, %dma_wait3A_176, %dma_wait3A_177] : memref<4x256x64xf32, #tpu.memory_space<vmem>> -> memref<1x256x64xf32, #tpu.memory_space<vmem>>
    %dma_wait3A_179 = tpu.memref_squeeze %dma_wait3A_178 : memref<1x256x64xf32, #tpu.memory_space<vmem>> -> memref<256x64xf32, #tpu.memory_space<vmem>>
    tpu.wait_dma2 semaphore(%arg12 : memref<!tpu.dma_semaphore, #tpu.memory_space<semaphore_mem>>) src(%dma_wait3A_179 : memref<256x64xf32, #tpu.memory_space<vmem>>) dst(%dma_wait3A_175 : memref<256x64xf32, #tpu.memory_space<hbm>>)
    %add3A_180 = arith.constant 12800 : i32
    %add3A_181 = arith.addi %mul3A_2, %add3A_180 : i32
    %dma_wait3A_182 = arith.constant 2 : i32
    %dma_wait3A_183 = arith.constant 0 : i32
    %dma_wait3A_184 = arith.constant 0 : i32
    %dma_wait3A_185 = tpu.memref_slice %arg6[%dma_wait3A_182, %dma_wait3A_183, %dma_wait3A_184] : memref<4x256x64xf32, #tpu.memory_space<vmem>> -> memref<1x256x64xf32, #tpu.memory_space<vmem>>
    %dma_wait3A_186 = tpu.memref_squeeze %dma_wait3A_185 : memref<1x256x64xf32, #tpu.memory_space<vmem>> -> memref<256x64xf32, #tpu.memory_space<vmem>>
    %dma_wait3A_187 = arith.constant 0 : i32
    %dma_wait3A_188 = tpu.memref_slice %arg4[%add3A_181, %dma_wait3A_187] : memref<425984x64xf32, #tpu.memory_space<hbm>> -> memref<256x64xf32, #tpu.memory_space<hbm>>
    %dma_wait3A_189 = arith.constant 0 : i32
    %dma_wait3A_190 = tpu.memref_slice %arg4[%add3A_181, %dma_wait3A_189] : memref<425984x64xf32, #tpu.memory_space<hbm>> -> memref<256x64xf32, #tpu.memory_space<hbm>>
    %dma_wait3A_191 = arith.constant 0 : i32
    %dma_wait3A_192 = arith.constant 0 : i32
    %dma_wait3A_193 = tpu.memref_slice %arg6[%dma_wait3A_182, %dma_wait3A_191, %dma_wait3A_192] : memref<4x256x64xf32, #tpu.memory_space<vmem>> -> memref<1x256x64xf32, #tpu.memory_space<vmem>>
    %dma_wait3A_194 = tpu.memref_squeeze %dma_wait3A_193 : memref<1x256x64xf32, #tpu.memory_space<vmem>> -> memref<256x64xf32, #tpu.memory_space<vmem>>
    tpu.wait_dma2 semaphore(%arg13 : memref<!tpu.dma_semaphore, #tpu.memory_space<semaphore_mem>>) src(%dma_wait3A_194 : memref<256x64xf32, #tpu.memory_space<vmem>>) dst(%dma_wait3A_190 : memref<256x64xf32, #tpu.memory_space<hbm>>)
    %add3A_195 = arith.constant 13056 : i32
    %add3A_196 = arith.addi %mul3A_2, %add3A_195 : i32
    %dma_wait3A_197 = arith.constant 3 : i32
    %dma_wait3A_198 = arith.constant 0 : i32
    %dma_wait3A_199 = arith.constant 0 : i32
    %dma_wait3A_200 = tpu.memref_slice %arg6[%dma_wait3A_197, %dma_wait3A_198, %dma_wait3A_199] : memref<4x256x64xf32, #tpu.memory_space<vmem>> -> memref<1x256x64xf32, #tpu.memory_space<vmem>>
    %dma_wait3A_201 = tpu.memref_squeeze %dma_wait3A_200 : memref<1x256x64xf32, #tpu.memory_space<vmem>> -> memref<256x64xf32, #tpu.memory_space<vmem>>
    %dma_wait3A_202 = arith.constant 0 : i32
    %dma_wait3A_203 = tpu.memref_slice %arg4[%add3A_196, %dma_wait3A_202] : memref<425984x64xf32, #tpu.memory_space<hbm>> -> memref<256x64xf32, #tpu.memory_space<hbm>>
    %dma_wait3A_204 = arith.constant 0 : i32
    %dma_wait3A_205 = tpu.memref_slice %arg4[%add3A_196, %dma_wait3A_204] : memref<425984x64xf32, #tpu.memory_space<hbm>> -> memref<256x64xf32, #tpu.memory_space<hbm>>
    %dma_wait3A_206 = arith.constant 0 : i32
    %dma_wait3A_207 = arith.constant 0 : i32
    %dma_wait3A_208 = tpu.memref_slice %arg6[%dma_wait3A_197, %dma_wait3A_206, %dma_wait3A_207] : memref<4x256x64xf32, #tpu.memory_space<vmem>> -> memref<1x256x64xf32, #tpu.memory_space<vmem>>
    %dma_wait3A_209 = tpu.memref_squeeze %dma_wait3A_208 : memref<1x256x64xf32, #tpu.memory_space<vmem>> -> memref<256x64xf32, #tpu.memory_space<vmem>>
    tpu.wait_dma2 semaphore(%arg14 : memref<!tpu.dma_semaphore, #tpu.memory_space<semaphore_mem>>) src(%dma_wait3A_209 : memref<256x64xf32, #tpu.memory_space<vmem>>) dst(%dma_wait3A_205 : memref<256x64xf32, #tpu.memory_space<hbm>>)
    return
  }
}

module attributes {stable_mosaic.version = 14 : i64} {
  func.func @_tp_body(%arg0: i32, %arg1: i32, %arg2: memref<1x64x16384xf32, #tpu.memory_space<vmem>>, %arg3: memref<1x8192x128xf32, #tpu.memory_space<vmem>>) attributes {dimension_semantics = [#tpu.dimension_semantics<arbitrary>, #tpu.dimension_semantics<arbitrary>], iteration_bounds = array<i64: 26, 7>, scalar_prefetch = 0 : i64, scratch_operands = 0 : i64, tpu.core_type = #tpu.core_type<tc>, window_params = [{transform_indices = @transform_0, window_bounds = array<i64: 1, 64, 16384>}, {transform_indices = @transform_1, window_bounds = array<i64: 1, 8192, 128>}]} {
    %get3A = arith.constant 0 : index
    %get3A_0 = arith.constant 0 : index
    %get3A_1 = arith.constant 0 : index
    %get3A_2 = vector.load %arg2[%get3A, %get3A_0, %get3A_1] : memref<1x64x16384xf32, #tpu.memory_space<vmem>>, vector<1x64x16384xf32>
    %get3A_3 = vector.shape_cast %get3A_2 : vector<1x64x16384xf32> to vector<64x16384xf32>
    %iota3A = tpu.iota {dimensions = array<i32: 0>} : vector<64x128xi32>
    %iota3A_4 = tpu.iota {dimensions = array<i32: 1>} : vector<64x128xi32>
    %eq3A = arith.cmpi eq, %iota3A_4, %iota3A : vector<64x128xi32>
    %convert_element_type3A = arith.extui %eq3A : vector<64x128xi1> to vector<64x128xi32>
    %convert_element_type3A_5 = arith.sitofp %convert_element_type3A : vector<64x128xi32> to vector<64x128xf32>
    %add3A = arith.constant 64 : i32
    %add3A_6 = vector.broadcast %add3A : i32 to vector<64x128xi32>
    %add3A_7 = arith.addi %iota3A, %add3A_6 : vector<64x128xi32>
    %eq3A_8 = arith.cmpi eq, %iota3A_4, %add3A_7 : vector<64x128xi32>
    %convert_element_type3A_9 = arith.extui %eq3A_8 : vector<64x128xi1> to vector<64x128xi32>
    %convert_element_type3A_10 = arith.sitofp %convert_element_type3A_9 : vector<64x128xi32> to vector<64x128xf32>
    %slice3A = vector.extract_strided_slice %get3A_3 {offsets = [0, 0], sizes = [64, 8192], strides = [1, 1]} : vector<64x16384xf32> to vector<64x8192xf32>
    %dot_general3A = arith.constant dense<0.000000e+00> : vector<8192x128xf32>
    %dot_general3A_11 = tpu.matmul %slice3A, %convert_element_type3A_5, %dot_general3A {dimension_numbers = #tpu.dot_dimension_numbers<[0], [0], [1], [1], [0, 1, 1, 1], [], []>, transpose_lhs_hint = false} : vector<64x8192xf32>, vector<64x128xf32>, vector<8192x128xf32> -> vector<8192x128xf32>
    %slice3A_12 = vector.extract_strided_slice %get3A_3 {offsets = [0, 8192], sizes = [64, 8192], strides = [1, 1]} : vector<64x16384xf32> to vector<64x8192xf32>
    %dot_general3A_13 = arith.constant dense<0.000000e+00> : vector<8192x128xf32>
    %dot_general3A_14 = tpu.matmul %slice3A_12, %convert_element_type3A_10, %dot_general3A_13 {dimension_numbers = #tpu.dot_dimension_numbers<[0], [0], [1], [1], [0, 1, 1, 1], [], []>, transpose_lhs_hint = false} : vector<64x8192xf32>, vector<64x128xf32>, vector<8192x128xf32> -> vector<8192x128xf32>
    %add3A_15 = arith.addf %dot_general3A_11, %dot_general3A_14 : vector<8192x128xf32>
    %swap3A = arith.constant 0 : index
    %swap3A_16 = arith.constant 0 : index
    %swap3A_17 = arith.constant 0 : index
    %swap3A_18 = vector.load %arg3[%swap3A, %swap3A_16, %swap3A_17] : memref<1x8192x128xf32, #tpu.memory_space<vmem>>, vector<1x8192x128xf32>
    %swap3A_19 = vector.shape_cast %swap3A_18 : vector<1x8192x128xf32> to vector<8192x128xf32>
    %swap3A_20 = vector.shape_cast %add3A_15 : vector<8192x128xf32> to vector<1x8192x128xf32>
    tpu.vector_store %arg3[%swap3A, %swap3A_16, %swap3A_17], %swap3A_20 {strides = array<i32>} : memref<1x8192x128xf32, #tpu.memory_space<vmem>>, vector<1x8192x128xf32>,
    return
  }
  func.func @transform_0(%arg0: i32, %arg1: i32) -> (i32, i32, i32) {
    %c0_i32 = arith.constant 0 : i32
    %c0_i32_0 = arith.constant 0 : i32
    return %arg0, %c0_i32, %arg1 : i32, i32, i32
  }
  func.func @transform_1(%arg0: i32, %arg1: i32) -> (i32, i32, i32) {
    %c0_i32 = arith.constant 0 : i32
    %c0_i32_0 = arith.constant 0 : i32
    return %arg0, %arg1, %c0_i32 : i32, i32, i32
  }
}

</mosaic_0001>

<sc_bundles>
// kernel: kernel.4.cloned.1.call-start
scs
__scs_entry_jumppad:
0x0: {  	(pc) =	sbr.rel $0x88, $3  }
0x1: {  	(tag) =	ssettag $0x0;
	lr =	simm.s32 $0x1  }
0x2: {  	[smem:$0x3F9F] =	sst lr;
	_ =	strace $0xD0000000  }
0x3: {  	_ = 	snop  }
0x4: {  	_ = 	snop  }
0x5: {  	_ = 	snop  }
0x6: {  	_ = 	snop  }
0x7: {  	_ = 	snop  }
__scs_overlays_trampoline_lowered:
0x8: {  	[smem:$0x3FAE] =	sst s0  }
0x9: {  	[smem:$0x3FAF] =	sst s1  }
0xa: {  	[smem:$0x3FB0] =	sst s2  }
0xb: {  	[smem:$0x3FB1] =	sst s3  }
0xc: {  	[smem:$0x3FB2] =	sst s4  }
0xd: {  	[smem:$0x3FB3] =	sst s5  }
0xe: {  	[smem:$0x3FB4] =	sst s6  }
0xf: {  	[smem:$0x3FB5] =	sst s7  }
0x10: {  	[smem:$0x3FB6] =	sst s8  }
0x11: {  	[smem:$0x3FB7] =	sst s9;
	s0 =	simm.s32 @!p0 $0x0  }
0x12: {  	s1 =	sld [smem:$0x3F9D];
	s0 =	simm.s32 @p0 $0x1  }
0x13: {  	[smem:$0x3FB8] =	sst s0;
	s0 =	simm.s32 @!p1 $0x0  }
0x14: {  	s2 =	sld [smem:$0x3F9C];
	s0 =	simm.s32 @p1 $0x1  }
0x15: {  	[smem:$0x3FB9] =	sst s0;
	s0 =	simm.s32 @!p2 $0x0  }
0x16: {  	s3 =	sld [smem:$0x3FDB];
	s0 =	simm.s32 @p2 $0x1  }
0x17: {  	s4 =	simm.s32 $0x1BF5;
	[smem:$0x3FBB] =	sst s0  }
0x18: {  	s0 =	sld [smem:$0x3F9E];
	_ =	swait.ge [sflag:s4], $0x0  }
0x19: {  	s7 =	sld [smem:$0x3F9F]  }
0x1a: {  	s8 =	sadd.s32 $0xFFFFE003, lr  }
0x1b: {  	s9 =	sadd.s32 $0xFFFFFEF7, lr;
	s5 =	simm.s32 $0xFFFFFFFF;
	p2 =	slt.u32 s8, $0xFFFFF086  }
0x1c: {  	p1 =	slt.u32 s9, $0xF7A;
	s5 =	simm.s32 @!p2 $0x0  }
0x1d: {  	s5 =	simm.s32 @p1 $0x1;
	p0 =	seq.s32 s7, s2  }
0x1e: {  	s7 =	smul.u32 @!p0 $0xF7A, s2;
	p2 =	seq.s32 @!p0 s5, $0x0  }
0x1f: {  	s9 =	smul.u32 $0xF7A, s1;
	s8 =	simm.s32 @!p0 $0x1BF5;
	p2 =	por !p2, p0  }
0x20: {  	[sflag:s8] =	ssyncset.s32 @!p0 $0xFFFFF086;
	s6 =	sadd.s32 @!p0 s3, s7;
	s7 =	simm.s32 @!p0 $0x108  }
0x21: {  	s3 =	sadd.s32 s3, s9;
	s6 =	sadd.s32 @!p0 $0x88, s6;
	s7 =	simm.s32 @p2 $0x1082  }
0x22: {  	[simem:s7], [sflag:s8] =	dma.local @!p0 [hbm:s6], $0xF7A  }
0x23: {  	s9 =	sor.u32 $0xD0000000, s2;
	s6 =	simm.s32 $0x108;
	_ =	swait.ge @!p0 [sflag:s8], $0x0  }
0x24: {  	s3 =	sadd.s32 $0x88, s3;
	s6 =	simm.s32 @!p1 $0x1082;
	[sflag:s4] =	ssyncset.s32 $0xFFFFF086  }
0x25: {  	[simem:s6], [sflag:s4] =	dma.local [hbm:s3], $0xF7A  }
0x26: {  	[smem:$0x3F9F] =	sst s1;
	(tag) =	ssettag s2;
	_ =	strace s9  }
0x27: {  	s1 =	sld [smem:$0x3FAF]  }
0x28: {  	s2 =	sld [smem:$0x3FB0]  }
0x29: {  	s4 =	sld [smem:$0x3FB2]  }
0x2a: {  	p0 =	seq.s32 s5, $0x0;
	s5 =	sld [smem:$0x3FB3]  }
0x2b: {  	s6 =	sld [smem:$0x3FB4]  }
0x2c: {  	s7 =	sld [smem:$0x3FB5]  }
0x2d: {  	s3 =	simm.s32 $0x108;
	s8 =	sld [smem:$0x3FB6]  }
0x2e: {  	s3 =	simm.s32 @!p0 $0x1082;
	s9 =	sld [smem:$0x3FB7]  }
0x2f: {  	lr =	sadd.s32 s0, s3;
	s0 =	sld [smem:$0x3FAE]  }
0x30: {  	s3 =	sld [smem:$0x3FB1]  }
0x31: {  	[smem:$0x3FBA] =	sst s10  }
0x32: {  	s10 =	sld [smem:$0x3FB8];
	_ =	sdelay $0x3  }
0x33: {  	p0 =	seq.s32 s10, $0x1;
	s10 =	sld [smem:$0x3FBA];
	_ =	sdelay $0x3  }
0x34: {  	[smem:$0x3FBA] =	sst s10  }
0x35: {  	s10 =	sld [smem:$0x3FB9];
	_ =	sdelay $0x3  }
0x36: {  	p1 =	seq.s32 s10, $0x1;
	s10 =	sld [smem:$0x3FBA];
	_ =	sdelay $0x3  }
0x37: {  	[smem:$0x3FBA] =	sst s10  }
0x38: {  	s10 =	sld [smem:$0x3FBB]  }
0x39: {  	_ = 	snop;
	(pc) =	sbr.ind lr, $3  }
0x3a: {  	_ = 	snop  }
0x3b: {  	_ = 	snop  }
0x3c: {  	p2 =	seq.s32 s10, $0x1;
	s10 =	sld [smem:$0x3FBA]  }
0x3d: {  	_ =	shalt  }
0x3e: {  	_ =	shalt  }
0x3f: {  	_ =	shalt  }
0x40: {  	_ =	shalt  }
0x41: {  	_ =	shalt  }
0x42: {  	_ =	shalt  }
0x43: {  	_ =	shalt  }
0x44: {  	_ =	shalt  }
0x45: {  	_ =	shalt  }
0x46: {  	_ =	shalt  }
0x47: {  	_ =	shalt  }
0x48: {  	_ =	shalt  }
0x49: {  	_ =	shalt  }
0x4a: {  	_ =	shalt  }
0x4b: {  	_ =	shalt  }
0x4c: {  	_ =	shalt  }
0x4d: {  	_ =	shalt  }
0x4e: {  	_ =	shalt  }
0x4f: {  	_ =	shalt  }
0x50: {  	_ =	shalt  }
0x51: {  	_ =	shalt  }
0x52: {  	_ =	shalt  }
0x53: {  	_ =	shalt  }
0x54: {  	_ =	shalt  }
0x55: {  	_ =	shalt  }
0x56: {  	_ =	shalt  }
0x57: {  	_ =	shalt  }
0x58: {  	_ =	shalt  }
0x59: {  	_ =	shalt  }
0x5a: {  	_ =	shalt  }
0x5b: {  	_ =	shalt  }
0x5c: {  	_ =	shalt  }
0x5d: {  	_ =	shalt  }
0x5e: {  	_ =	shalt  }
0x5f: {  	_ =	shalt  }
0x60: {  	_ =	shalt  }
0x61: {  	_ =	shalt  }
0x62: {  	_ =	shalt  }
0x63: {  	_ =	shalt  }
0x64: {  	_ =	shalt  }
0x65: {  	_ =	shalt  }
0x66: {  	_ =	shalt  }
0x67: {  	_ =	shalt  }
0x68: {  	_ =	shalt  }
0x69: {  	_ =	shalt  }
0x6a: {  	_ =	shalt  }
0x6b: {  	_ =	shalt  }
0x6c: {  	_ =	shalt  }
0x6d: {  	_ =	shalt  }
0x6e: {  	_ =	shalt  }
0x6f: {  	_ =	shalt  }
0x70: {  	_ =	shalt  }
0x71: {  	_ =	shalt  }
0x72: {  	_ =	shalt  }
0x73: {  	_ =	shalt  }
0x74: {  	_ =	shalt  }
0x75: {  	_ =	shalt  }
0x76: {  	_ =	shalt  }
0x77: {  	_ =	shalt  }
0x78: {  	_ =	shalt  }
0x79: {  	_ =	shalt  }
0x7a: {  	_ =	shalt  }
0x7b: {  	_ =	shalt  }
0x7c: {  	_ =	shalt  }
0x7d: {  	_ =	shalt  }
0x7e: {  	_ =	shalt  }
0x7f: {  	_ =	shalt  }
0x80: {  	_ =	shalt  }
0x81: {  	_ =	shalt  }
0x82: {  	_ =	shalt  }
0x83: {  	_ =	shalt  }
0x84: {  	_ =	shalt  }
0x85: {  	_ =	shalt  }
0x86: {  	_ =	shalt  }
0x87: {  	_ =	shalt  }
.Lfunc_end0:
.L_simem_size_0:
called_computation_lowered:
.L_overlay_start_0:
0x88: {  	s2 =	sld [smem:$0x3FD9]  }
0x89: {  	s3 =	sld [smem:$0x3FFE];
	_ =	sdelay $0x1  }
0x8a: {  	s1 =	srdreg.scid  }
0x8b: {  	s0 =	sand.u32 $0x1, s1  }
0x8c: {  	s17 =	sshll.u32 s0, $0xA;
	s2 =	sadd.s32 s3, s2  }
0x8d: {  	s2 =	sadd.s32 s2, s17  }
0x8e: {  	[smem:$0x3FC6] =	sst s2  }
0x8f: {  	_ = 	snop  }
0x90: {  	s2 =	sld [smem:$0x3FD0];
	(tm) =	ssettm $0x1  }
0x91: {  	s18 =	sld [smem:$0x3FFB];
	_ =	sdelay $0x3  }
0x92: {  	_ =	strace s18  }
0x93: {  	s3 =	sld [smem:$0x3FFC];
	_ =	sdelay $0x3  }
0x94: {  	_ =	strace s3  }
0x95: {  	s3 =	sld [smem:$0x3FFD];
	_ =	sdelay $0x3  }
0x96: {  	_ =	strace s3  }
0x97: {  	_ =	strace $0x8FFFFFFF  }
0x98: {  	s19 =	sld [smem:$0x3FDB];
	_ =	sdelay $0x1  }
0x99: {  	s4 =	simm.s32 $_scs_section_size  }
0x9a: {  	s5 =	simm.s32 $_size__tile_overlayer_lowered;
	s6 =	simm.s32 $_tile_overlayer_lowered  }
0x9b: {  	s22 =	simm.s32 $0x1BFF;
	s21 =	sshll.u32 s6, $0x1;
	s3 =	sadd.s32 s4, s19  }
0x9c: {  	s7 =	simm.s32 $0x0;
	s20 =	sshll.u32 s5, $0x1;
	s5 =	sadd.s32 s21, s3  }
0x9d: {  	[timem:s7], [sflag:s22] =	dma.local [hbm:s5], s20  }
0x9e: {  	_ =	swait.ge [sflag:s22], s20  }
0x9f: {  	s4 =	ssub.s32 $0x0, s20;
	[sflag:s22] =	ssyncset.done $0x0  }
0xa0: {  	[sflag:s22] =	ssyncadd.s32 s4;
	_ =	sdelay $0x1  }
0xa1: {  	s23 =	simm.s32 $0x1B8B  }
0xa2: {  	_ =	swait.ge [sflag:s23], $0x1  }
0xa3: {  	[sflag:s23] =	ssyncset.done $0x0  }
0xa4: {  	s25 =	simm.s32 $0x1B8E;
	s24 =	sld [smem:$0x3FFE];
	[sflag:s23] =	ssyncadd.s32 $0xFFFFFFFF  }
0xa5: {  	s26 =	simm.s32 $execute0_lowered;
	[smem:$0x3FD2] =	sst s25  }
0xa6: {  	s5 =	sshll.u32 s26, $0x1;
	_ =	strace $0x80000046;
	[dreg:$0x1] =	wrdreg $0xFFFFFFFF  }
0xa7: {  	s28 =	simm.s32 $_size_execute0_lowered;
	s3 =	sadd.s32 s3, s5;
	[dreg:$0x0] =	wrdreg $0x0  }
0xa8: {  	s5 =	sshll.u32 s28, $0x1;
	[dreg:$0x2] =	wrdreg s3  }
0xa9: {  	[dreg:$0x3] =	wrdreg s5  }
0xaa: {  	[dreg:$0x4] =	wrdreg $0xC0  }
0xab: {  	_ =	task [dreg:s7], $0x5FFFF  }
0xac: {  	[dreg:$0x1] =	wrdreg $0xFFFFFFFF  }
0xad: {  	[dreg:$0x0] =	wrdreg $0x60  }
0xae: {  	[dreg:$0x2] =	wrdreg s2  }
0xaf: {  	[dreg:$0x3] =	wrdreg s24  }
0xb0: {  	[dreg:$0x4] =	wrdreg $0x9  }
0xb1: {  	_ =	task.clear_ibuf [dreg:s7], $0x5FFFF;
	_ =	strace $0x90000046  }
0xb2: {  	s29 =	simm.s32 $0x9;
	_ =	strace $0x80000048  }
0xb3: {  	_ =	swait.ge [sflag:s29], $0x1  }
0xb4: {  	[sflag:s29] =	ssyncadd.s32 $0xFFFFFFFF  }
0xb5: {  	_ =	strace $0x90000048  }
0xb6: {  	_ =	sfence  }
0xb7: {  	s30 =	sld [smem:$0x0];
	_ =	sdelay $0x2  }
0xb8: {  	s31 =	sshll.u32 s1, $0xD;
	s1 =	sshrl.u32 s1, $0x2  }
0xb9: {  	s3 =	sand.u32 $0x4000, s31;
	s1 =	sadd.s32 s1, s30  }
0xba: {  	s0 =	sor.u32 s3, s0;
	s1 =	sshll.u32 s1, $0x11  }
0xbb: {  	s0 =	sor.u32 s1, s0  }
0xbc: {  	s0 =	sadd.s32 $0x8F2B, s0  }
0xbd: {  	[sflag:s0] =	ssyncadd.remote.s32 $0x1  }
0xbe: {  	_ =	sfence.sel $0xFFFF  }
0xbf: {  	[dreg:$0x0] =	wrdreg $0xFFFFFFFF;
	(pc) =	sbr.abs _section_cstart, $3  }
0xc0: {  	[dreg:$0x1] =	wrdreg $0xFFFFFFFF  }
0xc1: {  	_ =	task.clear_ibuf [dreg:s7], $0x2FFFF;
	_ =	strace $0x9FFFFFFF  }
0xc2: {  	(tm) =	ssettm $0x7FFFFFFF  }
0xc3: {  	_ =	shalt  }
tec
execute0_lowered:
.L_overlay_start_1:
0x0: {  	(tag) =	ssettag $0x1  }
0x1: {  	s0 =	rddreg [dreg:$0x0]  }
0x2: {  	s1 =	rddreg [dreg:$0x1]  }
0x3: {  	s3 =	srdreg.scid;
	s11 =	stileid.u32  }
0x4: {  	s2 =	simm.s32 $0x0;
	s14 =	simm.s32 $0x9;
	s15 =	simm.s32 $0x100  }
0x5: {  	s16 =	simm.s32 $0x3400;
	s17 =	simm.s32 $0x7400;
	s19 =	simm.s32 $0xB400  }
0x6: {  	s21 =	simm.s32 $0xF400;
	s28 =	simm.s32 $0x7;
	s29 =	simm.s32 $0x4  }
0x7: {  	s30 =	simm.s32 $0x8;
	s31 =	simm.s32 $0x0;
	s9 =	smul.u32 $0x1A0000, s11  }
0x8: {  	s6 =	sand.u32 $0x1, s3;
	s22 =	sshll.u32 s11, $0x1;
	s23 =	smul.u32 $0x6800, s11  }
0x9: {  	[smem:$0x7FF] =	sst s2;
	s3 =	sadd.s32 $0x400, s1;
	s12 =	smul.u32 $0x3400, s6  }
0xa: {  	s1 =	sadd.s32 $0x16C0400, s1;
	s4 =	sor.u32 s6, s22;
	s25 =	smul.u32 $0xD0000, s6  }
0xb: {  	_ =	strace $0x80000047;
	s7 =	ssub.s32 $0x2, s6;
	s5 =	smul.u32 $0x3400, s4  }
0xc: {  	s22 =	simm.s32 $0x1;
	s4 =	smul.u32 $0xD0000, s4;
	s8 =	sshrl.u32 s7, $0x1  }
0xd: {  	s10 =	ssub.s32 s7, s8;
	s12 =	sadd.s32 s12, s23;
	s23 =	simm.s32 $0x5  }
0xe: {  	s4 =	sshrl.u32 s4, $0x3;
	s5 =	sshrl.u32 s5, $0x3;
	s26 =	sshll.u32 s12, $0x3  }
0xf: {  	s24 =	sadd.s32 s1, s4;
	s0 =	sadd.s32 s0, s5;
	s13 =	sadd.s32 s26, s1  }
0x10: {  	s26 =	simm.s32 $0x3;
	[dreg:$0x3] =	wrdreg s0;
	s5 =	sadd.s32 $0x18000, s24  }
0x11: {  	s6 =	sadd.s32 $0x18800, s24;
	s7 =	sadd.s32 $0x19000, s24;
	s8 =	sadd.s32 $0x19800, s24  }
0x12: {  	s0 =	sadd.s32 s25, s9;
	s9 =	smax.u32 s10, $0x1;
	s11 =	sadd.s32 $0x1800, s13  }
0x13: {  	s12 =	sadd.s32 $0x1000, s13;
	s13 =	sadd.s32 $0x800, s13;
	s0 =	sshrl.u32 s0, $0x3  }
0x14: {  	v0 =	vlaneseq.u32;
	s24 =	simm.s32 $0x2;
	s25 =	simm.s32 $0x6;
	s10 =	sadd.s32 s0, s1  }
.LBB2_1:
0x15: {  	s0 =	rddreg [dreg:$0x3]  }
0x16: {  	[tilespmem:s2], [sflag:$0x9] =	stream.linear.gather [hbm4b:s0+s2], $0x3400, $0x38;
	[tilespmem:$0x13400] =	vst v63  }
0x17: {  	v1 =	vor.u32 s2, v0;
	_ =	swait.ge [sflag:s14], $0x3400  }
0x18: {  	v2 =	vmulhi.u32 $0x4EC4EC4F, v1;
	[sflag:s14] =	ssyncset.done $0x0  }
0x19: {  	[sflag:s14] =	ssyncadd.s32 $0xFFFFCC00  }
0x1a: {  	v2 =	vshrl.u32 v2, $0x3;
	v3 =	vld [tilespmem:s2+$0x0]  }
0x1b: {  	v2 =	vmul.u32 $0x1A, v2;
	_ =	sdelay $0x1  }
0x1c: {  	v1 =	vsub.s32 v1, v2  }
0x1d: {  	v1 =	vmul.u32 $0x1C000, v1  }
0x1e: {  	v2 =	vand.u32 $0xFFFFC000, v3;
	v4 =	vshll.u32 v3, $0x1  }
0x1f: {  	s20 =	simm.s32 $0x10;
	v3 =	vshrl.u32 v3, $0xD;
	v2 =	vadd.s32 v1, v2;
	v4 =	vand.u32 $0x3FFE, v4  }
0x20: {  	s1 =	simm.s32 $0x20;
	s0 =	simm.s32 $0x0;
	v1 =	vor.u32 s20, v0;
	v3 =	vand.u32 $0x1, v3;
	v2 =	vor.u32 v4, v2  }
.LBB2_2:
0x21: {  	p0 =	sne.s32 s1, $0x33F0;
	v4 =	vmulhi.u32 $0x4EC4EC4F, v1;
	v2 =	vor.u32 v3, v2  }
0x22: {  	[tilespmem:s0+$0x0] =	vst v2;
	s0 =	sadd.s32 $0x10, s0  }
0x23: {  	v2 =	vshrl.u32 v4, $0x3;
	v3 =	vld [tilespmem:s0+$0x0]  }
0x24: {  	v2 =	vmul.u32 $0x1A, v2;
	_ =	sdelay $0x1  }
.Ltmp0:
0x25: {  	v1 =	vsub.s32 v1, v2;
	(pc) =	sbr.rel @p0 .LBB2_2-.Ltmp0, $4  }
0x26: {  	v1 =	vmul.u32 $0x1C000, v1  }
0x27: {  	v2 =	vand.u32 $0xFFFFC000, v3;
	v4 =	vshll.u32 v3, $0x1  }
0x28: {  	v3 =	vshrl.u32 v3, $0xD;
	v2 =	vadd.s32 v1, v2;
	v4 =	vand.u32 $0x3FFE, v4  }
0x29: {  	v1 =	vor.u32 s1, v0;
	s1 =	sadd.s32 $0x10, s1;
	v3 =	vand.u32 $0x1, v3;
	v2 =	vor.u32 v4, v2  }
0x2a: {  	v4 =	vmulhi.u32 $0x4EC4EC4F, v1;
	v2 =	vor.u32 v3, v2  }
0x2b: {  	s4 =	sadd.s32 $0x10, s0;
	[tilespmem:s0+$0x0] =	vst v2  }
0x2c: {  	v2 =	vshrl.u32 v4, $0x3;
	v3 =	vld [tilespmem:s4+$0x0]  }
0x2d: {  	v2 =	vmul.u32 $0x1A, v2;
	_ =	sdelay $0x1  }
0x2e: {  	v1 =	vsub.s32 v1, v2  }
0x2f: {  	v1 =	vmul.u32 $0x1C000, v1  }
0x30: {  	v2 =	vand.u32 $0xFFFFC000, v3;
	v63 =	vshll.u32 v3, $0x1  }
0x31: {  	v3 =	vshrl.u32 v3, $0xD;
	v1 =	vadd.s32 v1, v2;
	v2 =	vand.u32 $0x3FFE, v63  }
0x32: {  	v1 =	vor.u32 v2, v1;
	v2 =	vand.u32 $0x1, v3  }
0x33: {  	v1 =	vor.u32 v2, v1  }
0x34: {  	s18 =	simm.s32 $0x0;
	[tilespmem:s4+$0x0] =	vst v1  }
0x35: {  	[tilespmem:s16], [sflag:$0x1] =	stream.indirect.gather [hbm4b:s3+s15], $0x40, s18, s15, $0xb8;
	[tilespmem:$0x13400] =	vst v63  }
0x36: {  	_ = 	snop  }
0x37: {  	[tilespmem:s17], [sflag:$0x2] =	stream.indirect.gather [hbm4b:s3+s15], $0x40, s15, s15, $0xb8;
	[tilespmem:$0x13400] =	vst v63  }
0x38: {  	s20 =	simm.s32 $0x200  }
0x39: {  	[tilespmem:s19], [sflag:$0x3] =	stream.indirect.gather [hbm4b:s3+s15], $0x40, s20, s15, $0xb8;
	[tilespmem:$0x13400] =	vst v63  }
0x3a: {  	s1 =	simm.s32 $0x300  }
0x3b: {  	[tilespmem:s21], [sflag:$0x4] =	stream.indirect.gather [hbm4b:s3+s15], $0x40, s1, s15, $0xb8;
	[tilespmem:$0x13400] =	vst v63  }
0x3c: {  	_ =	swait.ge [sflag:s22], $0x4000  }
0x3d: {  	[sflag:s22] =	ssyncset.done $0x0  }
0x3e: {  	s4 =	sadd.s32 $0x0, s10;
	[sflag:s22] =	ssyncadd.s32 $0xFFFFC000  }
0x3f: {  	[hbm4b:s4+s2] =	stream.linear.scatter [tilespmem:s16], [sflag:$0x5], $0x4000, $0x38;
	[tilespmem:$0x13400] =	vst v63  }
0x40: {  	_ =	swait.ge [sflag:s23], $0x4000  }
0x41: {  	[sflag:s23] =	ssyncset.done $0x0  }
0x42: {  	s18 =	simm.s32 $0x400;
	[sflag:s23] =	ssyncadd.s32 $0xFFFFC000  }
0x43: {  	[tilespmem:s16], [sflag:$0x1] =	stream.indirect.gather [hbm4b:s3+s15], $0x40, s18, s15, $0xb8;
	[tilespmem:$0x13400] =	vst v63  }
0x44: {  	_ =	swait.ge [sflag:s24], $0x4000  }
0x45: {  	[sflag:s24] =	ssyncset.done $0x0  }
0x46: {  	s20 =	sadd.s32 $0x0, s13;
	[sflag:s24] =	ssyncadd.s32 $0xFFFFC000  }
0x47: {  	[hbm4b:s20+s2] =	stream.linear.scatter [tilespmem:s17], [sflag:$0x6], $0x4000, $0x38;
	[tilespmem:$0x13400] =	vst v63  }
0x48: {  	_ =	swait.ge [sflag:s25], $0x4000  }
0x49: {  	[sflag:s25] =	ssyncset.done $0x0  }
0x4a: {  	s1 =	simm.s32 $0x500;
	[sflag:s25] =	ssyncadd.s32 $0xFFFFC000  }
0x4b: {  	[tilespmem:s17], [sflag:$0x2] =	stream.indirect.gather [hbm4b:s3+s15], $0x40, s1, s15, $0xb8;
	[tilespmem:$0x13400] =	vst v63  }
0x4c: {  	_ =	swait.ge [sflag:s26], $0x4000  }
0x4d: {  	[sflag:s26] =	ssyncset.done $0x0  }
0x4e: {  	s4 =	sadd.s32 $0x0, s12;
	[sflag:s26] =	ssyncadd.s32 $0xFFFFC000  }
0x4f: {  	[hbm4b:s4+s2] =	stream.linear.scatter [tilespmem:s19], [sflag:$0x7], $0x4000, $0x38;
	[tilespmem:$0x13400] =	vst v63  }
0x50: {  	_ =	swait.ge [sflag:s28], $0x4000  }
0x51: {  	[sflag:s28] =	ssyncset.done $0x0  }
0x52: {  	s18 =	simm.s32 $0x600;
	[sflag:s28] =	ssyncadd.s32 $0xFFFFC000  }
0x53: {  	[tilespmem:s19], [sflag:$0x3] =	stream.indirect.gather [hbm4b:s3+s15], $0x40, s18, s15, $0xb8;
	[tilespmem:$0x13400] =	vst v63  }
0x54: {  	_ =	swait.ge [sflag:s29], $0x4000  }
0x55: {  	[sflag:s29] =	ssyncset.done $0x0  }
0x56: {  	s20 =	sadd.s32 $0x0, s11;
	[sflag:s29] =	ssyncadd.s32 $0xFFFFC000  }
0x57: {  	[hbm4b:s20+s2] =	stream.linear.scatter [tilespmem:s21], [sflag:$0x8], $0x4000, $0x38;
	[tilespmem:$0x13400] =	vst v63  }
0x58: {  	_ =	swait.ge [sflag:s30], $0x4000  }
0x59: {  	s0 =	simm.s32 $0x700;
	[sflag:s30] =	ssyncset.done $0x0  }
0x5a: {  	s1 =	simm.s32 $0x2000;
	s18 =	simm.s32 $0xB00;
	[sflag:s30] =	ssyncadd.s32 $0xFFFFC000  }
.LBB2_4:
0x5b: {  	[tilespmem:s21], [sflag:$0x4] =	stream.indirect.gather [hbm4b:s3+s15], $0x40, s0, s15, $0xb8;
	[tilespmem:$0x13400] =	vst v63  }
0x5c: {  	s20 =	smov.u32 s1;
	s0 =	smov.u32 s18  }
0x5d: {  	p0 =	sne.s32 s1, $0x16000;
	s1 =	sadd.s32 $0x2000, s1;
	_ =	swait.ge [sflag:s22], $0x4000  }
0x5e: {  	[sflag:s22] =	ssyncset.done $0x0  }
0x5f: {  	s4 =	sadd.s32 s20, s10;
	[sflag:s22] =	ssyncadd.s32 $0xFFFFC000  }
0x60: {  	[hbm4b:s4+s2] =	stream.linear.scatter [tilespmem:s16], [sflag:$0x5], $0x4000, $0x38;
	[tilespmem:$0x13400] =	vst v63  }
0x61: {  	_ =	swait.ge [sflag:s23], $0x4000  }
0x62: {  	[sflag:s23] =	ssyncset.done $0x0  }
0x63: {  	s4 =	sadd.s32 $0xFFFFFD00, s18;
	[sflag:s23] =	ssyncadd.s32 $0xFFFFC000  }
0x64: {  	[tilespmem:s16], [sflag:$0x1] =	stream.indirect.gather [hbm4b:s3+s15], $0x40, s4, s15, $0xb8;
	[tilespmem:$0x13400] =	vst v63  }
0x65: {  	_ =	swait.ge [sflag:s24], $0x4000  }
0x66: {  	[sflag:s24] =	ssyncset.done $0x0  }
0x67: {  	s4 =	sadd.s32 s20, s13;
	[sflag:s24] =	ssyncadd.s32 $0xFFFFC000  }
0x68: {  	[hbm4b:s4+s2] =	stream.linear.scatter [tilespmem:s17], [sflag:$0x6], $0x4000, $0x38;
	[tilespmem:$0x13400] =	vst v63  }
0x69: {  	_ =	swait.ge [sflag:s25], $0x4000  }
0x6a: {  	[sflag:s25] =	ssyncset.done $0x0  }
0x6b: {  	s4 =	sadd.s32 $0xFFFFFE00, s18;
	[sflag:s25] =	ssyncadd.s32 $0xFFFFC000  }
0x6c: {  	[tilespmem:s17], [sflag:$0x2] =	stream.indirect.gather [hbm4b:s3+s15], $0x40, s4, s15, $0xb8;
	[tilespmem:$0x13400] =	vst v63  }
0x6d: {  	_ =	swait.ge [sflag:s26], $0x4000  }
0x6e: {  	[sflag:s26] =	ssyncset.done $0x0  }
0x6f: {  	s4 =	sadd.s32 s20, s12;
	[sflag:s26] =	ssyncadd.s32 $0xFFFFC000  }
0x70: {  	[hbm4b:s4+s2] =	stream.linear.scatter [tilespmem:s19], [sflag:$0x7], $0x4000, $0x38;
	[tilespmem:$0x13400] =	vst v63  }
0x71: {  	_ =	swait.ge [sflag:s28], $0x4000  }
0x72: {  	[sflag:s28] =	ssyncset.done $0x0  }
0x73: {  	s4 =	sadd.s32 $0xFFFFFF00, s18;
	[sflag:s28] =	ssyncadd.s32 $0xFFFFC000  }
0x74: {  	[tilespmem:s19], [sflag:$0x3] =	stream.indirect.gather [hbm4b:s3+s15], $0x40, s4, s15, $0xb8;
	[tilespmem:$0x13400] =	vst v63  }
0x75: {  	_ =	swait.ge [sflag:s29], $0x4000  }
0x76: {  	[sflag:s29] =	ssyncset.done $0x0  }
.Ltmp1:
0x77: {  	s4 =	sadd.s32 s20, s11;
	[sflag:s29] =	ssyncadd.s32 $0xFFFFC000;
	(pc) =	sbr.rel @p0 .LBB2_4-.Ltmp1, $4  }
0x78: {  	[hbm4b:s4+s2] =	stream.linear.scatter [tilespmem:s21], [sflag:$0x8], $0x4000, $0x38;
	[tilespmem:$0x13400] =	vst v63  }
0x79: {  	_ =	swait.ge [sflag:s30], $0x4000  }
0x7a: {  	[sflag:s30] =	ssyncset.done $0x0  }
0x7b: {  	s18 =	sadd.s32 $0x400, s18;
	[sflag:s30] =	ssyncadd.s32 $0xFFFFC000  }
0x7c: {  	[tilespmem:s21], [sflag:$0x4] =	stream.indirect.gather [hbm4b:s3+s15], $0x40, s0, s15, $0xb8;
	[tilespmem:$0x13400] =	vst v63  }
0x7d: {  	_ =	swait.ge [sflag:s22], $0x4000  }
0x7e: {  	[sflag:s22] =	ssyncset.done $0x0  }
0x7f: {  	[sflag:s22] =	ssyncadd.s32 $0xFFFFC000  }
0x80: {  	[hbm4b:s5+s2] =	stream.linear.scatter [tilespmem:s16], [sflag:$0x5], $0x4000, $0x38;
	[tilespmem:$0x13400] =	vst v63  }
0x81: {  	_ =	swait.ge [sflag:s24], $0x4000  }
0x82: {  	[sflag:s24] =	ssyncset.done $0x0  }
0x83: {  	[sflag:s24] =	ssyncadd.s32 $0xFFFFC000  }
0x84: {  	[hbm4b:s6+s2] =	stream.linear.scatter [tilespmem:s17], [sflag:$0x6], $0x4000, $0x38;
	[tilespmem:$0x13400] =	vst v63  }
0x85: {  	_ =	swait.ge [sflag:s26], $0x4000  }
0x86: {  	[sflag:s26] =	ssyncset.done $0x0  }
0x87: {  	[sflag:s26] =	ssyncadd.s32 $0xFFFFC000  }
0x88: {  	[hbm4b:s7+s2] =	stream.linear.scatter [tilespmem:s19], [sflag:$0x7], $0x4000, $0x38;
	[tilespmem:$0x13400] =	vst v63  }
0x89: {  	_ =	swait.ge [sflag:s29], $0x4000  }
0x8a: {  	[sflag:s29] =	ssyncset.done $0x0  }
0x8b: {  	[sflag:s29] =	ssyncadd.s32 $0xFFFFC000  }
0x8c: {  	[hbm4b:s8+s2] =	stream.linear.scatter [tilespmem:s21], [sflag:$0x8], $0x4000, $0x38;
	[tilespmem:$0x13400] =	vst v63  }
0x8d: {  	_ =	swait.ge [sflag:s23], $0x4000  }
0x8e: {  	[sflag:s23] =	ssyncset.done $0x0  }
0x8f: {  	[sflag:s23] =	ssyncadd.s32 $0xFFFFC000  }
0x90: {  	_ =	swait.ge [sflag:s25], $0x4000  }
0x91: {  	[sflag:s25] =	ssyncset.done $0x0  }
0x92: {  	s31 =	sadd.s32 $0x1, s31;
	[sflag:s25] =	ssyncadd.s32 $0xFFFFC000  }
0x93: {  	p0 =	sne.s32 s31, s9;
	_ =	swait.ge [sflag:s28], $0x4000  }
.Ltmp2:
0x94: {  	[sflag:s28] =	ssyncset.done $0x0;
	(pc) =	sbr.rel @p0 .LBB2_1-.Ltmp2, $4  }
0x95: {  	[sflag:s28] =	ssyncadd.s32 $0xFFFFC000  }
0x96: {  	_ =	swait.ge [sflag:s30], $0x4000  }
0x97: {  	[sflag:s30] =	ssyncset.done $0x0  }
0x98: {  	[sflag:s30] =	ssyncadd.s32 $0xFFFFC000  }
0x99: {  	_ =	sfence.sel $0x180000  }
0x9a: {  	[bflag:$0x0] =	sbarrier.arrive $0xFFFF  }
0x9b: {  	_ =	strace $0x90000047  }
0x9c: {  	s0 =	stileid.u32;
	[bflag:$0x2] =	sbarrier.arrive $0xFFFF  }
0x9d: {  	p0 =	sne.s32 s0, $0x0;
	s0 =	rddreg [dreg:$0x2]  }
0x9e: {  	s0 =	sadd.s32 @!p0 $0x100000, s0  }
0x9f: {  	[sflag:s0] =	ssyncadd.tile.s32 @!p0 $0x1;
	_ =	shalt  }
.Lfunc_end2:
_tile_overlayer_lowered:
.L_overlay_start_2:
0xa0: {  	(tag) =	ssettag $0x2  }
0xa1: {  	s0 =	rddreg [dreg:$0x0];
	s2 =	stileid.u32  }
0xa2: {  	s1 =	rddreg [dreg:$0x1];
	p0 =	sne.s32 s2, $0x0  }
0xa3: {  	s3 =	rddreg [dreg:$0x2];
	[bflag:$0x3] =	sbarrier.arrive $0xFFFF;
	s2 =	simm.s32 @!p0 $0x1C09  }
0xa4: {  	[timem:s3], [sflag:s2] =	dma.local @!p0 [hbm:s0], s1  }
0xa5: {  	s0 =	simm.s32 @!p0 $0x9  }
0xa6: {  	_ =	swait.ge @!p0 [sflag:s0], s1  }
0xa7: {  	s1 =	ssub.s32 @!p0 $0x0, s1;
	[sflag:s0] =	ssyncset.done @!p0 $0x0  }
0xa8: {  	[sflag:s0] =	ssyncadd.s32 @!p0 s1  }
0xa9: {  	[bflag:$0x3] =	sbarrier.arrive $0xFFFF  }
0xaa: {  	_ =	shalt  }

</sc_bundles>
